<compile_context>
chip_gen: v7x
topology: tpu7x:2x2x1
jax: 0.10.2.dev20260603
libtpu: 0.0.44.dev20260713+nightly
codegen_flags: <defaults>
</compile_context>

<pallas_src>
import jax
import jax.numpy as jnp
from jax import lax
from jax.experimental import pallas as pl
from jax.experimental.pallas import tpu as pltpu
from jax.experimental.pallas import tpu_sc as plsc

_VOCAB = 1000
_EMBED = 20
_OUT = 10
_BATCH = 16384
_PAD = 16
_NC, _NS = 2, 16
_NW = _NC * _NS
_PER_W = _BATCH // _NW
_CHUNK = 128
_NCHUNK = _PER_W // _CHUNK


def _build_table_body(t_hbm, w_hbm, b_hbm, o_ref, t_v, w_v, b_v, sem):
    ct = pltpu.make_async_copy(t_hbm, t_v, sem)
    cw = pltpu.make_async_copy(w_hbm, w_v, sem)
    cb = pltpu.make_async_copy(b_hbm, b_v, sem)
    ct.start(); cw.start(); cb.start()
    ct.wait(); cw.wait(); cb.wait()
    w = w_v[...]
    wt = jnp.concatenate(
        [w.T, jnp.zeros((_EMBED, _PAD - _OUT), jnp.float32)], axis=1)
    bp = jnp.concatenate(
        [b_v[...], jnp.zeros((1, _PAD - _OUT), jnp.float32)], axis=1)
    p = lax.dot_general(t_v[...], wt, (((1,), (0,)), ((), ())),
                        precision=lax.Precision.HIGHEST,
                        preferred_element_type=jnp.float32)
    o_ref[...] = p + bp


def _gather_body(p_hbm, i1_hbm, i2_hbm, y1_hbm, y2_hbm,
                 i1_v, i2_v, r1_v, r2_v, sem, sem2, osem):
    wid = lax.axis_index("s") * _NC + lax.axis_index("c")
    base = wid * _PER_W
    pltpu.sync_copy(i1_hbm.at[wid], i1_v)
    pltpu.sync_copy(i2_hbm.at[wid], i2_v)
    g1, g2 = [], []
    for j in range(_NCHUNK):
        g1.append(pltpu.async_copy(
            p_hbm.at[i1_v.at[j]],
            r1_v.at[pl.ds(j * _CHUNK, _CHUNK)], sem))
        g2.append(pltpu.async_copy(
            p_hbm.at[i2_v.at[j]],
            r2_v.at[pl.ds(j * _CHUNK, _CHUNK)], sem2))
    for c in g1:
        c.wait()
    out1 = pltpu.async_copy(r1_v, y1_hbm.at[pl.ds(base, _PER_W)], osem)
    for c in g2:
        c.wait()
    out2 = pltpu.async_copy(r2_v, y2_hbm.at[pl.ds(base, _PER_W)], osem)
    out1.wait()
    out2.wait()


def _sc_gather(p, idx1r, idx2r):
    mesh = plsc.VectorSubcoreMesh(core_axis_name="c", subcore_axis_name="s")
    run = pl.kernel(
        _gather_body,
        out_type=(
            jax.ShapeDtypeStruct((_BATCH, _PAD), jnp.float32),
            jax.ShapeDtypeStruct((_BATCH, _PAD), jnp.float32),
        ),
        mesh=mesh,
        compiler_params=pltpu.CompilerParams(use_tc_tiling_on_sc=False),
        scratch_types=[
            pltpu.VMEM((_NCHUNK, _CHUNK), jnp.int32),
            pltpu.VMEM((_NCHUNK, _CHUNK), jnp.int32),
            pltpu.VMEM((_PER_W, _PAD), jnp.float32),
            pltpu.VMEM((_PER_W, _PAD), jnp.float32),
            pltpu.SemaphoreType.DMA,
            pltpu.SemaphoreType.DMA,
            pltpu.SemaphoreType.DMA,
        ],
    )
    return run(p, idx1r, idx2r)


def _repack_transposed(ap, o_ref):
    a2 = ap.reshape(128, 16, 128).transpose(1, 0, 2).reshape(2048, 128)
    a4 = a2.T
    a7 = a4.reshape(8, 16, 16, 128).transpose(1, 2, 0, 3)
    a9 = a7.reshape(2048, 128).T
    for f in range(_OUT):
        o_ref[pl.ds(f, 1), :] = a9[:, 128 * f:128 * f + 128].reshape(1, _BATCH)


def _finish_body(y1_ref, y2_ref, loss_ref, x1_ref, x2_ref):
    ap = y1_ref[...]
    cp = y2_ref[...]
    _repack_transposed(ap, x1_ref)
    _repack_transposed(cp, x2_ref)
    num128 = jnp.sum(ap * cp, axis=0)[None, :]
    s1_128 = jnp.sum(ap * ap, axis=0)[None, :]
    s2_128 = jnp.sum(cp * cp, axis=0)[None, :]
    num = jnp.zeros((1, _PAD), jnp.float32)
    s1 = jnp.zeros((1, _PAD), jnp.float32)
    s2 = jnp.zeros((1, _PAD), jnp.float32)
    for j in range(8):
        num = num + num128[:, j * _PAD:(j + 1) * _PAD]
        s1 = s1 + s1_128[:, j * _PAD:(j + 1) * _PAD]
        s2 = s2 + s2_128[:, j * _PAD:(j + 1) * _PAD]
    denom = jnp.maximum(jnp.sqrt(s1) * jnp.sqrt(s2), 1e-8)
    loss_ref[...] = (num / denom)[:, :_OUT]


def kernel(DPTD_name_1, DPTD_name_2, table, W, b):
    p = pl.pallas_call(
        _build_table_body,
        in_specs=[
            pl.BlockSpec(memory_space=pl.ANY),
            pl.BlockSpec(memory_space=pl.ANY),
            pl.BlockSpec(memory_space=pl.ANY),
        ],
        out_shape=jax.ShapeDtypeStruct((_VOCAB, _PAD), jnp.float32),
        scratch_shapes=[
            pltpu.VMEM((_VOCAB, _EMBED), jnp.float32),
            pltpu.VMEM((_OUT, _EMBED), jnp.float32),
            pltpu.VMEM((1, _OUT), jnp.float32),
            pltpu.SemaphoreType.DMA,
        ],
    )(table, W, b.reshape(1, _OUT))
    idx1r = DPTD_name_1.astype(jnp.int32).reshape(_NW, _NCHUNK, _CHUNK)
    idx2r = DPTD_name_2.astype(jnp.int32).reshape(_NW, _NCHUNK, _CHUNK)
    y1, y2 = _sc_gather(p, idx1r, idx2r)
    y1p = y1.reshape(_BATCH * _PAD // 128, 128)
    y2p = y2.reshape(_BATCH * _PAD // 128, 128)
    loss, x1t, x2t = pl.pallas_call(
        _finish_body,
        out_shape=(
            jax.ShapeDtypeStruct((1, _OUT), jnp.float32),
            jax.ShapeDtypeStruct((_OUT, _BATCH), jnp.float32),
            jax.ShapeDtypeStruct((_OUT, _BATCH), jnp.float32),
        ),
    )(y1p, y2p)
    x1 = x1t.T[None]
    x2 = x2t.T[None]
    return loss, x1, x2

# --- scband reference (transcript-rebuilt; emitter-appended) ---
"""Pipeline reference for scband-cos-calculate-38732015075359 (READ-ONLY COPY).

The authoritative reference and input builder live on the scoring server;
editing this copy changes nothing except your own understanding.
"""

import jax, jax.numpy as jnp
import numpy as np

VOCAB = 1000
EMBED = 20
OUT = 10
BATCH = 16384


def setup_inputs(seed: int = 0) -> dict:
    key = jax.random.key(seed)
    k1, k2, k3, k4, k5 = jax.random.split(key, 5)
    idx1 = jax.random.randint(k1, (BATCH,), 0, VOCAB, dtype=jnp.int64 if jax.config.read('jax_enable_x64') else jnp.int32)
    idx2 = jax.random.randint(k2, (BATCH,), 0, VOCAB, dtype=jnp.int64 if jax.config.read('jax_enable_x64') else jnp.int32)
    table = jax.random.normal(k3, (VOCAB, EMBED), dtype=jnp.float32)
    # Linear(20 -> 10): weight [10, 20], bias [10], torch default init (uniform kaiming-ish)
    bound = 1.0 / np.sqrt(EMBED)
    W = jax.random.uniform(k4, (OUT, EMBED), dtype=jnp.float32, minval=-bound, maxval=bound)
    b = jax.random.uniform(k5, (OUT,), dtype=jnp.float32, minval=-bound, maxval=bound)
    return {"DPTD_name_1": idx1, "DPTD_name_2": idx2, "table": table, "W": W, "b": b}


def reference(DPTD_name_1, DPTD_name_2, table, W, b):
    # torch.LongTensor([idx]) adds a leading batch dim of 1 -> [1, B]
    e1 = jnp.take(table, DPTD_name_1, axis=0)[None]  # [1, B, EMBED]
    e2 = jnp.take(table, DPTD_name_2, axis=0)[None]  # [1, B, EMBED]
    x1 = jnp.matmul(e1, W.T) + b                      # [1, B, OUT]
    x2 = jnp.matmul(e2, W.T) + b                      # [1, B, OUT]
    # torch.nn.CosineSimilarity(dim=1, eps=1e-8) reduces over dim=1 (the B axis here)
    eps = 1e-8
    num = jnp.sum(x1 * x2, axis=1)                    # [1, OUT]
    n1 = jnp.sqrt(jnp.sum(x1 * x1, axis=1))
    n2 = jnp.sqrt(jnp.sum(x2 * x2, axis=1))
    loss = num / jnp.maximum(n1 * n2, eps)            # [1, OUT]
    return (loss, x1, x2)

if __name__ == "__main__":
    import jax
    _d = setup_inputs()
    print(jax.jit(kernel)(*tuple(_d.values())))

</pallas_src>

<mosaic_0001>
#map = affine_map<(d0, d1) -> (0, 0)>
#map1 = affine_map<(d0, d1) -> (0, 0, 0)>
module attributes {stable_mosaic.version = 14 : i64} {
  func.func @_gather_body(%arg0: i32, %arg1: i32, %arg2: memref<1000x16xf32, #tpu.memory_space<hbm>>, %arg3: memref<32x4x128xi32, #tpu.memory_space<hbm>>, %arg4: memref<32x4x128xi32, #tpu.memory_space<hbm>>, %arg5: memref<16384x16xf32, #tpu.memory_space<hbm>>, %arg6: memref<16384x16xf32, #tpu.memory_space<hbm>>, %arg7: memref<4x128xi32, #tpu.memory_space<vmem>>, %arg8: memref<4x128xi32, #tpu.memory_space<vmem>>, %arg9: memref<512x16xf32, #tpu.memory_space<vmem>>, %arg10: memref<512x16xf32, #tpu.memory_space<vmem>>, %arg11: memref<!tpu.dma_semaphore, #tpu.memory_space<semaphore_mem>>, %arg12: memref<!tpu.dma_semaphore, #tpu.memory_space<semaphore_mem>>, %arg13: memref<!tpu.dma_semaphore, #tpu.memory_space<semaphore_mem>>) attributes {dimension_semantics = [#tpu.dimension_semantics<core_parallel>, #tpu.dimension_semantics<subcore_parallel>], iteration_bounds = array<i64: 2, 16>, scalar_prefetch = 0 : i64, scratch_operands = 7 : i64, tpu.core_type = #tpu.core_type<sc_vector_subcore>, window_params = [{transform_indices = #map}, {transform_indices = #map1}, {transform_indices = #map1}, {transform_indices = #map}, {transform_indices = #map}]} {
    %mul3A = arith.constant 2 : i32
    %mul3A_0 = arith.muli %arg1, %mul3A : i32
    %add3A = arith.addi %mul3A_0, %arg0 : i32
    %mul3A_1 = arith.constant 512 : i32
    %mul3A_2 = arith.muli %add3A, %mul3A_1 : i32
    "tpu.region"() ({
      %run_scoped3A = tpu.sem_alloc : memref<!tpu.dma_semaphore, #tpu.memory_space<semaphore_mem>>
      %dma_start3A_177 = arith.constant 0 : i32
      %dma_start3A_178 = arith.constant 0 : i32
      %dma_start3A_179 = tpu.memref_slice %arg3[%add3A, %dma_start3A_177, %dma_start3A_178] : memref<32x4x128xi32, #tpu.memory_space<hbm>> -> memref<1x4x128xi32, #tpu.memory_space<hbm>>
      %dma_start3A_180 = tpu.memref_squeeze %dma_start3A_179 : memref<1x4x128xi32, #tpu.memory_space<hbm>> -> memref<4x128xi32, #tpu.memory_space<hbm>>
      %dma_start3A_181 = arith.constant 0 : i32
      %dma_start3A_182 = arith.constant 0 : i32
      %dma_start3A_183 = tpu.memref_slice %arg3[%add3A, %dma_start3A_181, %dma_start3A_182] : memref<32x4x128xi32, #tpu.memory_space<hbm>> -> memref<1x4x128xi32, #tpu.memory_space<hbm>>
      %dma_start3A_184 = tpu.memref_squeeze %dma_start3A_183 : memref<1x4x128xi32, #tpu.memory_space<hbm>> -> memref<4x128xi32, #tpu.memory_space<hbm>>
      tpu.enqueue_dma source(%dma_start3A_184 : memref<4x128xi32, #tpu.memory_space<hbm>>) target(%arg7 : memref<4x128xi32, #tpu.memory_space<vmem>>) target_semaphore(%run_scoped3A : memref<!tpu.dma_semaphore, #tpu.memory_space<semaphore_mem>>)
      %dma_wait3A_185 = arith.constant 0 : i32
      %dma_wait3A_186 = arith.constant 0 : i32
      %dma_wait3A_187 = tpu.memref_slice %arg3[%add3A, %dma_wait3A_185, %dma_wait3A_186] : memref<32x4x128xi32, #tpu.memory_space<hbm>> -> memref<1x4x128xi32, #tpu.memory_space<hbm>>
      %dma_wait3A_188 = tpu.memref_squeeze %dma_wait3A_187 : memref<1x4x128xi32, #tpu.memory_space<hbm>> -> memref<4x128xi32, #tpu.memory_space<hbm>>
      %dma_wait3A_189 = arith.constant 0 : i32
      %dma_wait3A_190 = arith.constant 0 : i32
      %dma_wait3A_191 = tpu.memref_slice %arg3[%add3A, %dma_wait3A_189, %dma_wait3A_190] : memref<32x4x128xi32, #tpu.memory_space<hbm>> -> memref<1x4x128xi32, #tpu.memory_space<hbm>>
      %dma_wait3A_192 = tpu.memref_squeeze %dma_wait3A_191 : memref<1x4x128xi32, #tpu.memory_space<hbm>> -> memref<4x128xi32, #tpu.memory_space<hbm>>
      tpu.wait_dma2 semaphore(%run_scoped3A : memref<!tpu.dma_semaphore, #tpu.memory_space<semaphore_mem>>) src(%dma_wait3A_192 : memref<4x128xi32, #tpu.memory_space<hbm>>) dst(%arg7 : memref<4x128xi32, #tpu.memory_space<vmem>>)
      tpu.yield
    }) : () -> ()
    "tpu.region"() ({
      %run_scoped3A = tpu.sem_alloc : memref<!tpu.dma_semaphore, #tpu.memory_space<semaphore_mem>>
      %dma_start3A_177 = arith.constant 0 : i32
      %dma_start3A_178 = arith.constant 0 : i32
      %dma_start3A_179 = tpu.memref_slice %arg4[%add3A, %dma_start3A_177, %dma_start3A_178] : memref<32x4x128xi32, #tpu.memory_space<hbm>> -> memref<1x4x128xi32, #tpu.memory_space<hbm>>
      %dma_start3A_180 = tpu.memref_squeeze %dma_start3A_179 : memref<1x4x128xi32, #tpu.memory_space<hbm>> -> memref<4x128xi32, #tpu.memory_space<hbm>>
      %dma_start3A_181 = arith.constant 0 : i32
      %dma_start3A_182 = arith.constant 0 : i32
      %dma_start3A_183 = tpu.memref_slice %arg4[%add3A, %dma_start3A_181, %dma_start3A_182] : memref<32x4x128xi32, #tpu.memory_space<hbm>> -> memref<1x4x128xi32, #tpu.memory_space<hbm>>
      %dma_start3A_184 = tpu.memref_squeeze %dma_start3A_183 : memref<1x4x128xi32, #tpu.memory_space<hbm>> -> memref<4x128xi32, #tpu.memory_space<hbm>>
      tpu.enqueue_dma source(%dma_start3A_184 : memref<4x128xi32, #tpu.memory_space<hbm>>) target(%arg8 : memref<4x128xi32, #tpu.memory_space<vmem>>) target_semaphore(%run_scoped3A : memref<!tpu.dma_semaphore, #tpu.memory_space<semaphore_mem>>)
      %dma_wait3A_185 = arith.constant 0 : i32
      %dma_wait3A_186 = arith.constant 0 : i32
      %dma_wait3A_187 = tpu.memref_slice %arg4[%add3A, %dma_wait3A_185, %dma_wait3A_186] : memref<32x4x128xi32, #tpu.memory_space<hbm>> -> memref<1x4x128xi32, #tpu.memory_space<hbm>>
      %dma_wait3A_188 = tpu.memref_squeeze %dma_wait3A_187 : memref<1x4x128xi32, #tpu.memory_space<hbm>> -> memref<4x128xi32, #tpu.memory_space<hbm>>
      %dma_wait3A_189 = arith.constant 0 : i32
      %dma_wait3A_190 = arith.constant 0 : i32
      %dma_wait3A_191 = tpu.memref_slice %arg4[%add3A, %dma_wait3A_189, %dma_wait3A_190] : memref<32x4x128xi32, #tpu.memory_space<hbm>> -> memref<1x4x128xi32, #tpu.memory_space<hbm>>
      %dma_wait3A_192 = tpu.memref_squeeze %dma_wait3A_191 : memref<1x4x128xi32, #tpu.memory_space<hbm>> -> memref<4x128xi32, #tpu.memory_space<hbm>>
      tpu.wait_dma2 semaphore(%run_scoped3A : memref<!tpu.dma_semaphore, #tpu.memory_space<semaphore_mem>>) src(%dma_wait3A_192 : memref<4x128xi32, #tpu.memory_space<hbm>>) dst(%arg8 : memref<4x128xi32, #tpu.memory_space<vmem>>)
      tpu.yield
    }) : () -> ()
    %dma_start3A = arith.constant 0 : i32
    %dma_start3A_3 = arith.constant 0 : i32
    %dma_start3A_4 = arith.constant 0 : i32
    %dma_start3A_5 = tpu.memref_slice %arg9[%dma_start3A_3, %dma_start3A_4] : memref<512x16xf32, #tpu.memory_space<vmem>> -> memref<128x16xf32, #tpu.memory_space<vmem>>
    %dma_start3A_6 = arith.constant 0 : i32
    %dma_start3A_7 = tpu.memref_slice %arg7[%dma_start3A, %dma_start3A_6] : memref<4x128xi32, #tpu.memory_space<vmem>> -> memref<1x128xi32, #tpu.memory_space<vmem>>
    %dma_start3A_8 = tpu.memref_squeeze %dma_start3A_7 : memref<1x128xi32, #tpu.memory_space<vmem>> -> memref<128xi32, #tpu.memory_space<vmem>>
    %dma_start3A_9 = arith.constant 0 : i32
    %dma_start3A_10 = arith.constant 0 : i32
    %dma_start3A_11 = tpu.memref_slice %arg2[%dma_start3A_9, %dma_start3A_10] : memref<1000x16xf32, #tpu.memory_space<hbm>> -> memref<1000x16xf32, #tpu.memory_space<hbm>>
    tpu.enqueue_indirect_dma source(%dma_start3A_11 : memref<1000x16xf32, #tpu.memory_space<hbm>>) target(%dma_start3A_5 : memref<128x16xf32, #tpu.memory_space<vmem>>) offsets(%dma_start3A_8 : memref<128xi32, #tpu.memory_space<vmem>>) semaphore(%arg11 : memref<!tpu.dma_semaphore, #tpu.memory_space<semaphore_mem>>)
    %dma_start3A_12 = arith.constant 0 : i32
    %dma_start3A_13 = arith.constant 0 : i32
    %dma_start3A_14 = arith.constant 0 : i32
    %dma_start3A_15 = tpu.memref_slice %arg10[%dma_start3A_13, %dma_start3A_14] : memref<512x16xf32, #tpu.memory_space<vmem>> -> memref<128x16xf32, #tpu.memory_space<vmem>>
    %dma_start3A_16 = arith.constant 0 : i32
    %dma_start3A_17 = tpu.memref_slice %arg8[%dma_start3A_12, %dma_start3A_16] : memref<4x128xi32, #tpu.memory_space<vmem>> -> memref<1x128xi32, #tpu.memory_space<vmem>>
    %dma_start3A_18 = tpu.memref_squeeze %dma_start3A_17 : memref<1x128xi32, #tpu.memory_space<vmem>> -> memref<128xi32, #tpu.memory_space<vmem>>
    %dma_start3A_19 = arith.constant 0 : i32
    %dma_start3A_20 = arith.constant 0 : i32
    %dma_start3A_21 = tpu.memref_slice %arg2[%dma_start3A_19, %dma_start3A_20] : memref<1000x16xf32, #tpu.memory_space<hbm>> -> memref<1000x16xf32, #tpu.memory_space<hbm>>
    tpu.enqueue_indirect_dma source(%dma_start3A_21 : memref<1000x16xf32, #tpu.memory_space<hbm>>) target(%dma_start3A_15 : memref<128x16xf32, #tpu.memory_space<vmem>>) offsets(%dma_start3A_18 : memref<128xi32, #tpu.memory_space<vmem>>) semaphore(%arg12 : memref<!tpu.dma_semaphore, #tpu.memory_space<semaphore_mem>>)
    %dma_start3A_22 = arith.constant 1 : i32
    %dma_start3A_23 = arith.constant 128 : i32
    %dma_start3A_24 = arith.constant 0 : i32
    %dma_start3A_25 = tpu.memref_slice %arg9[%dma_start3A_23, %dma_start3A_24] : memref<512x16xf32, #tpu.memory_space<vmem>> -> memref<128x16xf32, #tpu.memory_space<vmem>>
    %dma_start3A_26 = arith.constant 0 : i32
    %dma_start3A_27 = tpu.memref_slice %arg7[%dma_start3A_22, %dma_start3A_26] : memref<4x128xi32, #tpu.memory_space<vmem>> -> memref<1x128xi32, #tpu.memory_space<vmem>>
    %dma_start3A_28 = tpu.memref_squeeze %dma_start3A_27 : memref<1x128xi32, #tpu.memory_space<vmem>> -> memref<128xi32, #tpu.memory_space<vmem>>
    %dma_start3A_29 = arith.constant 0 : i32
    %dma_start3A_30 = arith.constant 0 : i32
    %dma_start3A_31 = tpu.memref_slice %arg2[%dma_start3A_29, %dma_start3A_30] : memref<1000x16xf32, #tpu.memory_space<hbm>> -> memref<1000x16xf32, #tpu.memory_space<hbm>>
    tpu.enqueue_indirect_dma source(%dma_start3A_31 : memref<1000x16xf32, #tpu.memory_space<hbm>>) target(%dma_start3A_25 : memref<128x16xf32, #tpu.memory_space<vmem>>) offsets(%dma_start3A_28 : memref<128xi32, #tpu.memory_space<vmem>>) semaphore(%arg11 : memref<!tpu.dma_semaphore, #tpu.memory_space<semaphore_mem>>)
    %dma_start3A_32 = arith.constant 1 : i32
    %dma_start3A_33 = arith.constant 128 : i32
    %dma_start3A_34 = arith.constant 0 : i32
    %dma_start3A_35 = tpu.memref_slice %arg10[%dma_start3A_33, %dma_start3A_34] : memref<512x16xf32, #tpu.memory_space<vmem>> -> memref<128x16xf32, #tpu.memory_space<vmem>>
    %dma_start3A_36 = arith.constant 0 : i32
    %dma_start3A_37 = tpu.memref_slice %arg8[%dma_start3A_32, %dma_start3A_36] : memref<4x128xi32, #tpu.memory_space<vmem>> -> memref<1x128xi32, #tpu.memory_space<vmem>>
    %dma_start3A_38 = tpu.memref_squeeze %dma_start3A_37 : memref<1x128xi32, #tpu.memory_space<vmem>> -> memref<128xi32, #tpu.memory_space<vmem>>
    %dma_start3A_39 = arith.constant 0 : i32
    %dma_start3A_40 = arith.constant 0 : i32
    %dma_start3A_41 = tpu.memref_slice %arg2[%dma_start3A_39, %dma_start3A_40] : memref<1000x16xf32, #tpu.memory_space<hbm>> -> memref<1000x16xf32, #tpu.memory_space<hbm>>
    tpu.enqueue_indirect_dma source(%dma_start3A_41 : memref<1000x16xf32, #tpu.memory_space<hbm>>) target(%dma_start3A_35 : memref<128x16xf32, #tpu.memory_space<vmem>>) offsets(%dma_start3A_38 : memref<128xi32, #tpu.memory_space<vmem>>) semaphore(%arg12 : memref<!tpu.dma_semaphore, #tpu.memory_space<semaphore_mem>>)
    %dma_start3A_42 = arith.constant 2 : i32
    %dma_start3A_43 = arith.constant 256 : i32
    %dma_start3A_44 = arith.constant 0 : i32
    %dma_start3A_45 = tpu.memref_slice %arg9[%dma_start3A_43, %dma_start3A_44] : memref<512x16xf32, #tpu.memory_space<vmem>> -> memref<128x16xf32, #tpu.memory_space<vmem>>
    %dma_start3A_46 = arith.constant 0 : i32
    %dma_start3A_47 = tpu.memref_slice %arg7[%dma_start3A_42, %dma_start3A_46] : memref<4x128xi32, #tpu.memory_space<vmem>> -> memref<1x128xi32, #tpu.memory_space<vmem>>
    %dma_start3A_48 = tpu.memref_squeeze %dma_start3A_47 : memref<1x128xi32, #tpu.memory_space<vmem>> -> memref<128xi32, #tpu.memory_space<vmem>>
    %dma_start3A_49 = arith.constant 0 : i32
    %dma_start3A_50 = arith.constant 0 : i32
    %dma_start3A_51 = tpu.memref_slice %arg2[%dma_start3A_49, %dma_start3A_50] : memref<1000x16xf32, #tpu.memory_space<hbm>> -> memref<1000x16xf32, #tpu.memory_space<hbm>>
    tpu.enqueue_indirect_dma source(%dma_start3A_51 : memref<1000x16xf32, #tpu.memory_space<hbm>>) target(%dma_start3A_45 : memref<128x16xf32, #tpu.memory_space<vmem>>) offsets(%dma_start3A_48 : memref<128xi32, #tpu.memory_space<vmem>>) semaphore(%arg11 : memref<!tpu.dma_semaphore, #tpu.memory_space<semaphore_mem>>)
    %dma_start3A_52 = arith.constant 2 : i32
    %dma_start3A_53 = arith.constant 256 : i32
    %dma_start3A_54 = arith.constant 0 : i32
    %dma_start3A_55 = tpu.memref_slice %arg10[%dma_start3A_53, %dma_start3A_54] : memref<512x16xf32, #tpu.memory_space<vmem>> -> memref<128x16xf32, #tpu.memory_space<vmem>>
    %dma_start3A_56 = arith.constant 0 : i32
    %dma_start3A_57 = tpu.memref_slice %arg8[%dma_start3A_52, %dma_start3A_56] : memref<4x128xi32, #tpu.memory_space<vmem>> -> memref<1x128xi32, #tpu.memory_space<vmem>>
    %dma_start3A_58 = tpu.memref_squeeze %dma_start3A_57 : memref<1x128xi32, #tpu.memory_space<vmem>> -> memref<128xi32, #tpu.memory_space<vmem>>
    %dma_start3A_59 = arith.constant 0 : i32
    %dma_start3A_60 = arith.constant 0 : i32
    %dma_start3A_61 = tpu.memref_slice %arg2[%dma_start3A_59, %dma_start3A_60] : memref<1000x16xf32, #tpu.memory_space<hbm>> -> memref<1000x16xf32, #tpu.memory_space<hbm>>
    tpu.enqueue_indirect_dma source(%dma_start3A_61 : memref<1000x16xf32, #tpu.memory_space<hbm>>) target(%dma_start3A_55 : memref<128x16xf32, #tpu.memory_space<vmem>>) offsets(%dma_start3A_58 : memref<128xi32, #tpu.memory_space<vmem>>) semaphore(%arg12 : memref<!tpu.dma_semaphore, #tpu.memory_space<semaphore_mem>>)
    %dma_start3A_62 = arith.constant 3 : i32
    %dma_start3A_63 = arith.constant 384 : i32
    %dma_start3A_64 = arith.constant 0 : i32
    %dma_start3A_65 = tpu.memref_slice %arg9[%dma_start3A_63, %dma_start3A_64] : memref<512x16xf32, #tpu.memory_space<vmem>> -> memref<128x16xf32, #tpu.memory_space<vmem>>
    %dma_start3A_66 = arith.constant 0 : i32
    %dma_start3A_67 = tpu.memref_slice %arg7[%dma_start3A_62, %dma_start3A_66] : memref<4x128xi32, #tpu.memory_space<vmem>> -> memref<1x128xi32, #tpu.memory_space<vmem>>
    %dma_start3A_68 = tpu.memref_squeeze %dma_start3A_67 : memref<1x128xi32, #tpu.memory_space<vmem>> -> memref<128xi32, #tpu.memory_space<vmem>>
    %dma_start3A_69 = arith.constant 0 : i32
    %dma_start3A_70 = arith.constant 0 : i32
    %dma_start3A_71 = tpu.memref_slice %arg2[%dma_start3A_69, %dma_start3A_70] : memref<1000x16xf32, #tpu.memory_space<hbm>> -> memref<1000x16xf32, #tpu.memory_space<hbm>>
    tpu.enqueue_indirect_dma source(%dma_start3A_71 : memref<1000x16xf32, #tpu.memory_space<hbm>>) target(%dma_start3A_65 : memref<128x16xf32, #tpu.memory_space<vmem>>) offsets(%dma_start3A_68 : memref<128xi32, #tpu.memory_space<vmem>>) semaphore(%arg11 : memref<!tpu.dma_semaphore, #tpu.memory_space<semaphore_mem>>)
    %dma_start3A_72 = arith.constant 3 : i32
    %dma_start3A_73 = arith.constant 384 : i32
    %dma_start3A_74 = arith.constant 0 : i32
    %dma_start3A_75 = tpu.memref_slice %arg10[%dma_start3A_73, %dma_start3A_74] : memref<512x16xf32, #tpu.memory_space<vmem>> -> memref<128x16xf32, #tpu.memory_space<vmem>>
    %dma_start3A_76 = arith.constant 0 : i32
    %dma_start3A_77 = tpu.memref_slice %arg8[%dma_start3A_72, %dma_start3A_76] : memref<4x128xi32, #tpu.memory_space<vmem>> -> memref<1x128xi32, #tpu.memory_space<vmem>>
    %dma_start3A_78 = tpu.memref_squeeze %dma_start3A_77 : memref<1x128xi32, #tpu.memory_space<vmem>> -> memref<128xi32, #tpu.memory_space<vmem>>
    %dma_start3A_79 = arith.constant 0 : i32
    %dma_start3A_80 = arith.constant 0 : i32
    %dma_start3A_81 = tpu.memref_slice %arg2[%dma_start3A_79, %dma_start3A_80] : memref<1000x16xf32, #tpu.memory_space<hbm>> -> memref<1000x16xf32, #tpu.memory_space<hbm>>
    tpu.enqueue_indirect_dma source(%dma_start3A_81 : memref<1000x16xf32, #tpu.memory_space<hbm>>) target(%dma_start3A_75 : memref<128x16xf32, #tpu.memory_space<vmem>>) offsets(%dma_start3A_78 : memref<128xi32, #tpu.memory_space<vmem>>) semaphore(%arg12 : memref<!tpu.dma_semaphore, #tpu.memory_space<semaphore_mem>>)
    %dma_wait3A = arith.constant 0 : i32
    %dma_wait3A_82 = arith.constant 0 : i32
    %dma_wait3A_83 = arith.constant 0 : i32
    %dma_wait3A_84 = tpu.memref_slice %arg9[%dma_wait3A_82, %dma_wait3A_83] : memref<512x16xf32, #tpu.memory_space<vmem>> -> memref<128x16xf32, #tpu.memory_space<vmem>>
    %dma_wait3A_85 = arith.constant 0 : i32
    %dma_wait3A_86 = tpu.memref_slice %arg7[%dma_wait3A, %dma_wait3A_85] : memref<4x128xi32, #tpu.memory_space<vmem>> -> memref<1x128xi32, #tpu.memory_space<vmem>>
    %dma_wait3A_87 = tpu.memref_squeeze %dma_wait3A_86 : memref<1x128xi32, #tpu.memory_space<vmem>> -> memref<128xi32, #tpu.memory_space<vmem>>
    %dma_wait3A_88 = arith.constant 0 : i32
    %dma_wait3A_89 = arith.constant 0 : i32
    %dma_wait3A_90 = tpu.memref_slice %arg2[%dma_wait3A_88, %dma_wait3A_89] : memref<1000x16xf32, #tpu.memory_space<hbm>> -> memref<1000x16xf32, #tpu.memory_space<hbm>>
    tpu.wait_indirect_dma semaphore(%arg11 : memref<!tpu.dma_semaphore, #tpu.memory_space<semaphore_mem>>) src(%dma_wait3A_90 : memref<1000x16xf32, #tpu.memory_space<hbm>>) dst(%dma_wait3A_84 : memref<128x16xf32, #tpu.memory_space<vmem>>)
    %dma_wait3A_91 = arith.constant 1 : i32
    %dma_wait3A_92 = arith.constant 128 : i32
    %dma_wait3A_93 = arith.constant 0 : i32
    %dma_wait3A_94 = tpu.memref_slice %arg9[%dma_wait3A_92, %dma_wait3A_93] : memref<512x16xf32, #tpu.memory_space<vmem>> -> memref<128x16xf32, #tpu.memory_space<vmem>>
    %dma_wait3A_95 = arith.constant 0 : i32
    %dma_wait3A_96 = tpu.memref_slice %arg7[%dma_wait3A_91, %dma_wait3A_95] : memref<4x128xi32, #tpu.memory_space<vmem>> -> memref<1x128xi32, #tpu.memory_space<vmem>>
    %dma_wait3A_97 = tpu.memref_squeeze %dma_wait3A_96 : memref<1x128xi32, #tpu.memory_space<vmem>> -> memref<128xi32, #tpu.memory_space<vmem>>
    %dma_wait3A_98 = arith.constant 0 : i32
    %dma_wait3A_99 = arith.constant 0 : i32
    %dma_wait3A_100 = tpu.memref_slice %arg2[%dma_wait3A_98, %dma_wait3A_99] : memref<1000x16xf32, #tpu.memory_space<hbm>> -> memref<1000x16xf32, #tpu.memory_space<hbm>>
    tpu.wait_indirect_dma semaphore(%arg11 : memref<!tpu.dma_semaphore, #tpu.memory_space<semaphore_mem>>) src(%dma_wait3A_100 : memref<1000x16xf32, #tpu.memory_space<hbm>>) dst(%dma_wait3A_94 : memref<128x16xf32, #tpu.memory_space<vmem>>)
    %dma_wait3A_101 = arith.constant 2 : i32
    %dma_wait3A_102 = arith.constant 256 : i32
    %dma_wait3A_103 = arith.constant 0 : i32
    %dma_wait3A_104 = tpu.memref_slice %arg9[%dma_wait3A_102, %dma_wait3A_103] : memref<512x16xf32, #tpu.memory_space<vmem>> -> memref<128x16xf32, #tpu.memory_space<vmem>>
    %dma_wait3A_105 = arith.constant 0 : i32
    %dma_wait3A_106 = tpu.memref_slice %arg7[%dma_wait3A_101, %dma_wait3A_105] : memref<4x128xi32, #tpu.memory_space<vmem>> -> memref<1x128xi32, #tpu.memory_space<vmem>>
    %dma_wait3A_107 = tpu.memref_squeeze %dma_wait3A_106 : memref<1x128xi32, #tpu.memory_space<vmem>> -> memref<128xi32, #tpu.memory_space<vmem>>
    %dma_wait3A_108 = arith.constant 0 : i32
    %dma_wait3A_109 = arith.constant 0 : i32
    %dma_wait3A_110 = tpu.memref_slice %arg2[%dma_wait3A_108, %dma_wait3A_109] : memref<1000x16xf32, #tpu.memory_space<hbm>> -> memref<1000x16xf32, #tpu.memory_space<hbm>>
    tpu.wait_indirect_dma semaphore(%arg11 : memref<!tpu.dma_semaphore, #tpu.memory_space<semaphore_mem>>) src(%dma_wait3A_110 : memref<1000x16xf32, #tpu.memory_space<hbm>>) dst(%dma_wait3A_104 : memref<128x16xf32, #tpu.memory_space<vmem>>)
    %dma_wait3A_111 = arith.constant 3 : i32
    %dma_wait3A_112 = arith.constant 384 : i32
    %dma_wait3A_113 = arith.constant 0 : i32
    %dma_wait3A_114 = tpu.memref_slice %arg9[%dma_wait3A_112, %dma_wait3A_113] : memref<512x16xf32, #tpu.memory_space<vmem>> -> memref<128x16xf32, #tpu.memory_space<vmem>>
    %dma_wait3A_115 = arith.constant 0 : i32
    %dma_wait3A_116 = tpu.memref_slice %arg7[%dma_wait3A_111, %dma_wait3A_115] : memref<4x128xi32, #tpu.memory_space<vmem>> -> memref<1x128xi32, #tpu.memory_space<vmem>>
    %dma_wait3A_117 = tpu.memref_squeeze %dma_wait3A_116 : memref<1x128xi32, #tpu.memory_space<vmem>> -> memref<128xi32, #tpu.memory_space<vmem>>
    %dma_wait3A_118 = arith.constant 0 : i32
    %dma_wait3A_119 = arith.constant 0 : i32
    %dma_wait3A_120 = tpu.memref_slice %arg2[%dma_wait3A_118, %dma_wait3A_119] : memref<1000x16xf32, #tpu.memory_space<hbm>> -> memref<1000x16xf32, #tpu.memory_space<hbm>>
    tpu.wait_indirect_dma semaphore(%arg11 : memref<!tpu.dma_semaphore, #tpu.memory_space<semaphore_mem>>) src(%dma_wait3A_120 : memref<1000x16xf32, #tpu.memory_space<hbm>>) dst(%dma_wait3A_114 : memref<128x16xf32, #tpu.memory_space<vmem>>)
    %dma_start3A_121 = arith.constant 0 : i32
    %dma_start3A_122 = tpu.memref_slice %arg5[%mul3A_2, %dma_start3A_121] : memref<16384x16xf32, #tpu.memory_space<hbm>> -> memref<512x16xf32, #tpu.memory_space<hbm>>
    %dma_start3A_123 = arith.constant 0 : i32
    %dma_start3A_124 = tpu.memref_slice %arg5[%mul3A_2, %dma_start3A_123] : memref<16384x16xf32, #tpu.memory_space<hbm>> -> memref<512x16xf32, #tpu.memory_space<hbm>>
    tpu.enqueue_dma source(%arg9 : memref<512x16xf32, #tpu.memory_space<vmem>>) target(%dma_start3A_124 : memref<512x16xf32, #tpu.memory_space<hbm>>) target_semaphore(%arg13 : memref<!tpu.dma_semaphore, #tpu.memory_space<semaphore_mem>>)
    %dma_wait3A_125 = arith.constant 0 : i32
    %dma_wait3A_126 = arith.constant 0 : i32
    %dma_wait3A_127 = arith.constant 0 : i32
    %dma_wait3A_128 = tpu.memref_slice %arg10[%dma_wait3A_126, %dma_wait3A_127] : memref<512x16xf32, #tpu.memory_space<vmem>> -> memref<128x16xf32, #tpu.memory_space<vmem>>
    %dma_wait3A_129 = arith.constant 0 : i32
    %dma_wait3A_130 = tpu.memref_slice %arg8[%dma_wait3A_125, %dma_wait3A_129] : memref<4x128xi32, #tpu.memory_space<vmem>> -> memref<1x128xi32, #tpu.memory_space<vmem>>
    %dma_wait3A_131 = tpu.memref_squeeze %dma_wait3A_130 : memref<1x128xi32, #tpu.memory_space<vmem>> -> memref<128xi32, #tpu.memory_space<vmem>>
    %dma_wait3A_132 = arith.constant 0 : i32
    %dma_wait3A_133 = arith.constant 0 : i32
    %dma_wait3A_134 = tpu.memref_slice %arg2[%dma_wait3A_132, %dma_wait3A_133] : memref<1000x16xf32, #tpu.memory_space<hbm>> -> memref<1000x16xf32, #tpu.memory_space<hbm>>
    tpu.wait_indirect_dma semaphore(%arg12 : memref<!tpu.dma_semaphore, #tpu.memory_space<semaphore_mem>>) src(%dma_wait3A_134 : memref<1000x16xf32, #tpu.memory_space<hbm>>) dst(%dma_wait3A_128 : memref<128x16xf32, #tpu.memory_space<vmem>>)
    %dma_wait3A_135 = arith.constant 1 : i32
    %dma_wait3A_136 = arith.constant 128 : i32
    %dma_wait3A_137 = arith.constant 0 : i32
    %dma_wait3A_138 = tpu.memref_slice %arg10[%dma_wait3A_136, %dma_wait3A_137] : memref<512x16xf32, #tpu.memory_space<vmem>> -> memref<128x16xf32, #tpu.memory_space<vmem>>
    %dma_wait3A_139 = arith.constant 0 : i32
    %dma_wait3A_140 = tpu.memref_slice %arg8[%dma_wait3A_135, %dma_wait3A_139] : memref<4x128xi32, #tpu.memory_space<vmem>> -> memref<1x128xi32, #tpu.memory_space<vmem>>
    %dma_wait3A_141 = tpu.memref_squeeze %dma_wait3A_140 : memref<1x128xi32, #tpu.memory_space<vmem>> -> memref<128xi32, #tpu.memory_space<vmem>>
    %dma_wait3A_142 = arith.constant 0 : i32
    %dma_wait3A_143 = arith.constant 0 : i32
    %dma_wait3A_144 = tpu.memref_slice %arg2[%dma_wait3A_142, %dma_wait3A_143] : memref<1000x16xf32, #tpu.memory_space<hbm>> -> memref<1000x16xf32, #tpu.memory_space<hbm>>
    tpu.wait_indirect_dma semaphore(%arg12 : memref<!tpu.dma_semaphore, #tpu.memory_space<semaphore_mem>>) src(%dma_wait3A_144 : memref<1000x16xf32, #tpu.memory_space<hbm>>) dst(%dma_wait3A_138 : memref<128x16xf32, #tpu.memory_space<vmem>>)
    %dma_wait3A_145 = arith.constant 2 : i32
    %dma_wait3A_146 = arith.constant 256 : i32
    %dma_wait3A_147 = arith.constant 0 : i32
    %dma_wait3A_148 = tpu.memref_slice %arg10[%dma_wait3A_146, %dma_wait3A_147] : memref<512x16xf32, #tpu.memory_space<vmem>> -> memref<128x16xf32, #tpu.memory_space<vmem>>
    %dma_wait3A_149 = arith.constant 0 : i32
    %dma_wait3A_150 = tpu.memref_slice %arg8[%dma_wait3A_145, %dma_wait3A_149] : memref<4x128xi32, #tpu.memory_space<vmem>> -> memref<1x128xi32, #tpu.memory_space<vmem>>
    %dma_wait3A_151 = tpu.memref_squeeze %dma_wait3A_150 : memref<1x128xi32, #tpu.memory_space<vmem>> -> memref<128xi32, #tpu.memory_space<vmem>>
    %dma_wait3A_152 = arith.constant 0 : i32
    %dma_wait3A_153 = arith.constant 0 : i32
    %dma_wait3A_154 = tpu.memref_slice %arg2[%dma_wait3A_152, %dma_wait3A_153] : memref<1000x16xf32, #tpu.memory_space<hbm>> -> memref<1000x16xf32, #tpu.memory_space<hbm>>
    tpu.wait_indirect_dma semaphore(%arg12 : memref<!tpu.dma_semaphore, #tpu.memory_space<semaphore_mem>>) src(%dma_wait3A_154 : memref<1000x16xf32, #tpu.memory_space<hbm>>) dst(%dma_wait3A_148 : memref<128x16xf32, #tpu.memory_space<vmem>>)
    %dma_wait3A_155 = arith.constant 3 : i32
    %dma_wait3A_156 = arith.constant 384 : i32
    %dma_wait3A_157 = arith.constant 0 : i32
    %dma_wait3A_158 = tpu.memref_slice %arg10[%dma_wait3A_156, %dma_wait3A_157] : memref<512x16xf32, #tpu.memory_space<vmem>> -> memref<128x16xf32, #tpu.memory_space<vmem>>
    %dma_wait3A_159 = arith.constant 0 : i32
    %dma_wait3A_160 = tpu.memref_slice %arg8[%dma_wait3A_155, %dma_wait3A_159] : memref<4x128xi32, #tpu.memory_space<vmem>> -> memref<1x128xi32, #tpu.memory_space<vmem>>
    %dma_wait3A_161 = tpu.memref_squeeze %dma_wait3A_160 : memref<1x128xi32, #tpu.memory_space<vmem>> -> memref<128xi32, #tpu.memory_space<vmem>>
    %dma_wait3A_162 = arith.constant 0 : i32
    %dma_wait3A_163 = arith.constant 0 : i32
    %dma_wait3A_164 = tpu.memref_slice %arg2[%dma_wait3A_162, %dma_wait3A_163] : memref<1000x16xf32, #tpu.memory_space<hbm>> -> memref<1000x16xf32, #tpu.memory_space<hbm>>
    tpu.wait_indirect_dma semaphore(%arg12 : memref<!tpu.dma_semaphore, #tpu.memory_space<semaphore_mem>>) src(%dma_wait3A_164 : memref<1000x16xf32, #tpu.memory_space<hbm>>) dst(%dma_wait3A_158 : memref<128x16xf32, #tpu.memory_space<vmem>>)
    %dma_start3A_165 = arith.constant 0 : i32
    %dma_start3A_166 = tpu.memref_slice %arg6[%mul3A_2, %dma_start3A_165] : memref<16384x16xf32, #tpu.memory_space<hbm>> -> memref<512x16xf32, #tpu.memory_space<hbm>>
    %dma_start3A_167 = arith.constant 0 : i32
    %dma_start3A_168 = tpu.memref_slice %arg6[%mul3A_2, %dma_start3A_167] : memref<16384x16xf32, #tpu.memory_space<hbm>> -> memref<512x16xf32, #tpu.memory_space<hbm>>
    tpu.enqueue_dma source(%arg10 : memref<512x16xf32, #tpu.memory_space<vmem>>) target(%dma_start3A_168 : memref<512x16xf32, #tpu.memory_space<hbm>>) target_semaphore(%arg13 : memref<!tpu.dma_semaphore, #tpu.memory_space<semaphore_mem>>)
    %dma_wait3A_169 = arith.constant 0 : i32
    %dma_wait3A_170 = tpu.memref_slice %arg5[%mul3A_2, %dma_wait3A_169] : memref<16384x16xf32, #tpu.memory_space<hbm>> -> memref<512x16xf32, #tpu.memory_space<hbm>>
    %dma_wait3A_171 = arith.constant 0 : i32
    %dma_wait3A_172 = tpu.memref_slice %arg5[%mul3A_2, %dma_wait3A_171] : memref<16384x16xf32, #tpu.memory_space<hbm>> -> memref<512x16xf32, #tpu.memory_space<hbm>>
    tpu.wait_dma2 semaphore(%arg13 : memref<!tpu.dma_semaphore, #tpu.memory_space<semaphore_mem>>) src(%arg9 : memref<512x16xf32, #tpu.memory_space<vmem>>) dst(%dma_wait3A_172 : memref<512x16xf32, #tpu.memory_space<hbm>>)
    %dma_wait3A_173 = arith.constant 0 : i32
    %dma_wait3A_174 = tpu.memref_slice %arg6[%mul3A_2, %dma_wait3A_173] : memref<16384x16xf32, #tpu.memory_space<hbm>> -> memref<512x16xf32, #tpu.memory_space<hbm>>
    %dma_wait3A_175 = arith.constant 0 : i32
    %dma_wait3A_176 = tpu.memref_slice %arg6[%mul3A_2, %dma_wait3A_175] : memref<16384x16xf32, #tpu.memory_space<hbm>> -> memref<512x16xf32, #tpu.memory_space<hbm>>
    tpu.wait_dma2 semaphore(%arg13 : memref<!tpu.dma_semaphore, #tpu.memory_space<semaphore_mem>>) src(%arg10 : memref<512x16xf32, #tpu.memory_space<vmem>>) dst(%dma_wait3A_176 : memref<512x16xf32, #tpu.memory_space<hbm>>)
    return
  }
}

module attributes {stable_mosaic.version = 14 : i64} {
  func.func @_build_table_body(%arg0: memref<1000x20xf32, #tpu.memory_space<any>>, %arg1: memref<10x20xf32, #tpu.memory_space<any>>, %arg2: memref<1x10xf32, #tpu.memory_space<any>>, %arg3: memref<1000x16xf32, #tpu.memory_space<vmem>>, %arg4: memref<1000x20xf32, #tpu.memory_space<vmem>>, %arg5: memref<10x20xf32, #tpu.memory_space<vmem>>, %arg6: memref<1x10xf32, #tpu.memory_space<vmem>>, %arg7: memref<!tpu.dma_semaphore, #tpu.memory_space<semaphore_mem>>) attributes {dimension_semantics = [], scalar_prefetch = 0 : i64, scratch_operands = 4 : i64, tpu.core_type = #tpu.core_type<tc>} {
    tpu.enqueue_dma source(%arg0 : memref<1000x20xf32, #tpu.memory_space<any>>) target(%arg4 : memref<1000x20xf32, #tpu.memory_space<vmem>>) target_semaphore(%arg7 : memref<!tpu.dma_semaphore, #tpu.memory_space<semaphore_mem>>)
    tpu.enqueue_dma source(%arg1 : memref<10x20xf32, #tpu.memory_space<any>>) target(%arg5 : memref<10x20xf32, #tpu.memory_space<vmem>>) target_semaphore(%arg7 : memref<!tpu.dma_semaphore, #tpu.memory_space<semaphore_mem>>)
    tpu.enqueue_dma source(%arg2 : memref<1x10xf32, #tpu.memory_space<any>>) target(%arg6 : memref<1x10xf32, #tpu.memory_space<vmem>>) target_semaphore(%arg7 : memref<!tpu.dma_semaphore, #tpu.memory_space<semaphore_mem>>)
    tpu.wait_dma2 semaphore(%arg7 : memref<!tpu.dma_semaphore, #tpu.memory_space<semaphore_mem>>) src(%arg0 : memref<1000x20xf32, #tpu.memory_space<any>>) dst(%arg4 : memref<1000x20xf32, #tpu.memory_space<vmem>>)
    tpu.wait_dma2 semaphore(%arg7 : memref<!tpu.dma_semaphore, #tpu.memory_space<semaphore_mem>>) src(%arg1 : memref<10x20xf32, #tpu.memory_space<any>>) dst(%arg5 : memref<10x20xf32, #tpu.memory_space<vmem>>)
    tpu.wait_dma2 semaphore(%arg7 : memref<!tpu.dma_semaphore, #tpu.memory_space<semaphore_mem>>) src(%arg2 : memref<1x10xf32, #tpu.memory_space<any>>) dst(%arg6 : memref<1x10xf32, #tpu.memory_space<vmem>>)
    %get3A = arith.constant 0 : index
    %get3A_0 = arith.constant 0 : index
    %get3A_1 = vector.load %arg5[%get3A, %get3A_0] : memref<10x20xf32, #tpu.memory_space<vmem>>, vector<10x20xf32>
    %transpose3A = tpu.transpose %get3A_1, [1, 0] : vector<10x20xf32> -> vector<20x10xf32>
    %broadcast_in_dim3A = arith.constant 0.000000e+00 : f32
    %broadcast_in_dim3A_2 = vector.broadcast %broadcast_in_dim3A : f32 to vector<20x6xf32>
    %concatenate3A = tpu.concatenate %transpose3A, %broadcast_in_dim3A_2 in 1 : vector<20x10xf32>, vector<20x6xf32> -> vector<20x16xf32>
    %get3A_3 = arith.constant 0 : index
    %get3A_4 = arith.constant 0 : index
    %get3A_5 = vector.load %arg6[%get3A_3, %get3A_4] : memref<1x10xf32, #tpu.memory_space<vmem>>, vector<1x10xf32>
    %broadcast_in_dim3A_6 = arith.constant 0.000000e+00 : f32
    %broadcast_in_dim3A_7 = vector.broadcast %broadcast_in_dim3A_6 : f32 to vector<1x6xf32>
    %concatenate3A_8 = tpu.concatenate %get3A_5, %broadcast_in_dim3A_7 in 1 : vector<1x10xf32>, vector<1x6xf32> -> vector<1x16xf32>
    %get3A_9 = arith.constant 0 : index
    %get3A_10 = arith.constant 0 : index
    %get3A_11 = vector.load %arg4[%get3A_9, %get3A_10] : memref<1000x20xf32, #tpu.memory_space<vmem>>, vector<1000x20xf32>
    %dot_general3A = arith.constant dense<0.000000e+00> : vector<1000x16xf32>
    %dot_general3A_12 = tpu.matmul %get3A_11, %concatenate3A, %dot_general3A {dimension_numbers = #tpu.dot_dimension_numbers<[1], [0], [0], [1], [0, 0, 1, 1], [], []>, precision = #tpu.contract_precision<fp32>, transpose_lhs_hint = false} : vector<1000x20xf32>, vector<20x16xf32>, vector<1000x16xf32> -> vector<1000x16xf32>
    %add3A = vector.broadcast %concatenate3A_8 : vector<1x16xf32> to vector<1000x16xf32>
    %add3A_13 = arith.addf %dot_general3A_12, %add3A : vector<1000x16xf32>
    %swap3A = arith.constant 0 : index
    %swap3A_14 = arith.constant 0 : index
    %swap3A_15 = vector.load %arg3[%swap3A, %swap3A_14] : memref<1000x16xf32, #tpu.memory_space<vmem>>, vector<1000x16xf32>
    tpu.vector_store %arg3[%swap3A, %swap3A_14], %add3A_13 {strides = array<i32>} : memref<1000x16xf32, #tpu.memory_space<vmem>>, vector<1000x16xf32>,
    return
  }
}

module attributes {stable_mosaic.version = 14 : i64} {
  func.func @_finish_body(%arg0: memref<2048x128xf32, #tpu.memory_space<vmem>>, %arg1: memref<2048x128xf32, #tpu.memory_space<vmem>>, %arg2: memref<1x10xf32, #tpu.memory_space<vmem>>, %arg3: memref<10x16384xf32, #tpu.memory_space<vmem>>, %arg4: memref<10x16384xf32, #tpu.memory_space<vmem>>) attributes {dimension_semantics = [], scalar_prefetch = 0 : i64, scratch_operands = 0 : i64, tpu.core_type = #tpu.core_type<tc>} {
    %get3A = arith.constant 0 : index
    %get3A_0 = arith.constant 0 : index
    %get3A_1 = vector.load %arg0[%get3A, %get3A_0] : memref<2048x128xf32, #tpu.memory_space<vmem>>, vector<2048x128xf32>
    %get3A_2 = arith.constant 0 : index
    %get3A_3 = arith.constant 0 : index
    %get3A_4 = vector.load %arg1[%get3A_2, %get3A_3] : memref<2048x128xf32, #tpu.memory_space<vmem>>, vector<2048x128xf32>
    %reshape3A = vector.shape_cast %get3A_1 : vector<2048x128xf32> to vector<128x16x128xf32>
    %transpose3A = tpu.transpose %reshape3A, [1, 0, 2] : vector<128x16x128xf32> -> vector<16x128x128xf32>
    %reshape3A_5 = vector.shape_cast %transpose3A : vector<16x128x128xf32> to vector<2048x128xf32>
    %transpose3A_6 = tpu.transpose %reshape3A_5, [1, 0] : vector<2048x128xf32> -> vector<128x2048xf32>
    %reshape3A_7 = vector.shape_cast %transpose3A_6 : vector<128x2048xf32> to vector<8x16x16x128xf32>
    %transpose3A_8 = tpu.transpose %reshape3A_7, [1, 2, 0, 3] : vector<8x16x16x128xf32> -> vector<16x16x8x128xf32>
    %reshape3A_9 = vector.shape_cast %transpose3A_8 : vector<16x16x8x128xf32> to vector<2048x128xf32>
    %transpose3A_10 = tpu.transpose %reshape3A_9, [1, 0] : vector<2048x128xf32> -> vector<128x2048xf32>
    %slice3A = vector.extract_strided_slice %transpose3A_10 {offsets = [0, 0], sizes = [128, 128], strides = [1, 1]} : vector<128x2048xf32> to vector<128x128xf32>
    %reshape3A_11 = vector.shape_cast %slice3A : vector<128x128xf32> to vector<1x16384xf32>
    %swap3A = arith.constant 0 : index
    %swap3A_12 = arith.constant 0 : index
    %swap3A_13 = vector.load %arg3[%swap3A, %swap3A_12] : memref<10x16384xf32, #tpu.memory_space<vmem>>, vector<1x16384xf32>
    tpu.vector_store %arg3[%swap3A, %swap3A_12], %reshape3A_11 {strides = array<i32>} : memref<10x16384xf32, #tpu.memory_space<vmem>>, vector<1x16384xf32>,
    %slice3A_14 = vector.extract_strided_slice %transpose3A_10 {offsets = [0, 128], sizes = [128, 128], strides = [1, 1]} : vector<128x2048xf32> to vector<128x128xf32>
    %reshape3A_15 = vector.shape_cast %slice3A_14 : vector<128x128xf32> to vector<1x16384xf32>
    %swap3A_16 = arith.constant 1 : index
    %swap3A_17 = arith.constant 0 : index
    %swap3A_18 = vector.load %arg3[%swap3A_16, %swap3A_17] : memref<10x16384xf32, #tpu.memory_space<vmem>>, vector<1x16384xf32>
    tpu.vector_store %arg3[%swap3A_16, %swap3A_17], %reshape3A_15 {strides = array<i32>} : memref<10x16384xf32, #tpu.memory_space<vmem>>, vector<1x16384xf32>,
    %slice3A_19 = vector.extract_strided_slice %transpose3A_10 {offsets = [0, 256], sizes = [128, 128], strides = [1, 1]} : vector<128x2048xf32> to vector<128x128xf32>
    %reshape3A_20 = vector.shape_cast %slice3A_19 : vector<128x128xf32> to vector<1x16384xf32>
    %swap3A_21 = arith.constant 2 : index
    %swap3A_22 = arith.constant 0 : index
    %swap3A_23 = vector.load %arg3[%swap3A_21, %swap3A_22] : memref<10x16384xf32, #tpu.memory_space<vmem>>, vector<1x16384xf32>
    tpu.vector_store %arg3[%swap3A_21, %swap3A_22], %reshape3A_20 {strides = array<i32>} : memref<10x16384xf32, #tpu.memory_space<vmem>>, vector<1x16384xf32>,
    %slice3A_24 = vector.extract_strided_slice %transpose3A_10 {offsets = [0, 384], sizes = [128, 128], strides = [1, 1]} : vector<128x2048xf32> to vector<128x128xf32>
    %reshape3A_25 = vector.shape_cast %slice3A_24 : vector<128x128xf32> to vector<1x16384xf32>
    %swap3A_26 = arith.constant 3 : index
    %swap3A_27 = arith.constant 0 : index
    %swap3A_28 = vector.load %arg3[%swap3A_26, %swap3A_27] : memref<10x16384xf32, #tpu.memory_space<vmem>>, vector<1x16384xf32>
    tpu.vector_store %arg3[%swap3A_26, %swap3A_27], %reshape3A_25 {strides = array<i32>} : memref<10x16384xf32, #tpu.memory_space<vmem>>, vector<1x16384xf32>,
    %slice3A_29 = vector.extract_strided_slice %transpose3A_10 {offsets = [0, 512], sizes = [128, 128], strides = [1, 1]} : vector<128x2048xf32> to vector<128x128xf32>
    %reshape3A_30 = vector.shape_cast %slice3A_29 : vector<128x128xf32> to vector<1x16384xf32>
    %swap3A_31 = arith.constant 4 : index
    %swap3A_32 = arith.constant 0 : index
    %swap3A_33 = vector.load %arg3[%swap3A_31, %swap3A_32] : memref<10x16384xf32, #tpu.memory_space<vmem>>, vector<1x16384xf32>
    tpu.vector_store %arg3[%swap3A_31, %swap3A_32], %reshape3A_30 {strides = array<i32>} : memref<10x16384xf32, #tpu.memory_space<vmem>>, vector<1x16384xf32>,
    %slice3A_34 = vector.extract_strided_slice %transpose3A_10 {offsets = [0, 640], sizes = [128, 128], strides = [1, 1]} : vector<128x2048xf32> to vector<128x128xf32>
    %reshape3A_35 = vector.shape_cast %slice3A_34 : vector<128x128xf32> to vector<1x16384xf32>
    %swap3A_36 = arith.constant 5 : index
    %swap3A_37 = arith.constant 0 : index
    %swap3A_38 = vector.load %arg3[%swap3A_36, %swap3A_37] : memref<10x16384xf32, #tpu.memory_space<vmem>>, vector<1x16384xf32>
    tpu.vector_store %arg3[%swap3A_36, %swap3A_37], %reshape3A_35 {strides = array<i32>} : memref<10x16384xf32, #tpu.memory_space<vmem>>, vector<1x16384xf32>,
    %slice3A_39 = vector.extract_strided_slice %transpose3A_10 {offsets = [0, 768], sizes = [128, 128], strides = [1, 1]} : vector<128x2048xf32> to vector<128x128xf32>
    %reshape3A_40 = vector.shape_cast %slice3A_39 : vector<128x128xf32> to vector<1x16384xf32>
    %swap3A_41 = arith.constant 6 : index
    %swap3A_42 = arith.constant 0 : index
    %swap3A_43 = vector.load %arg3[%swap3A_41, %swap3A_42] : memref<10x16384xf32, #tpu.memory_space<vmem>>, vector<1x16384xf32>
    tpu.vector_store %arg3[%swap3A_41, %swap3A_42], %reshape3A_40 {strides = array<i32>} : memref<10x16384xf32, #tpu.memory_space<vmem>>, vector<1x16384xf32>,
    %slice3A_44 = vector.extract_strided_slice %transpose3A_10 {offsets = [0, 896], sizes = [128, 128], strides = [1, 1]} : vector<128x2048xf32> to vector<128x128xf32>
    %reshape3A_45 = vector.shape_cast %slice3A_44 : vector<128x128xf32> to vector<1x16384xf32>
    %swap3A_46 = arith.constant 7 : index
    %swap3A_47 = arith.constant 0 : index
    %swap3A_48 = vector.load %arg3[%swap3A_46, %swap3A_47] : memref<10x16384xf32, #tpu.memory_space<vmem>>, vector<1x16384xf32>
    tpu.vector_store %arg3[%swap3A_46, %swap3A_47], %reshape3A_45 {strides = array<i32>} : memref<10x16384xf32, #tpu.memory_space<vmem>>, vector<1x16384xf32>,
    %slice3A_49 = vector.extract_strided_slice %transpose3A_10 {offsets = [0, 1024], sizes = [128, 128], strides = [1, 1]} : vector<128x2048xf32> to vector<128x128xf32>
    %reshape3A_50 = vector.shape_cast %slice3A_49 : vector<128x128xf32> to vector<1x16384xf32>
    %swap3A_51 = arith.constant 8 : index
    %swap3A_52 = arith.constant 0 : index
    %swap3A_53 = vector.load %arg3[%swap3A_51, %swap3A_52] : memref<10x16384xf32, #tpu.memory_space<vmem>>, vector<1x16384xf32>
    tpu.vector_store %arg3[%swap3A_51, %swap3A_52], %reshape3A_50 {strides = array<i32>} : memref<10x16384xf32, #tpu.memory_space<vmem>>, vector<1x16384xf32>,
    %slice3A_54 = vector.extract_strided_slice %transpose3A_10 {offsets = [0, 1152], sizes = [128, 128], strides = [1, 1]} : vector<128x2048xf32> to vector<128x128xf32>
    %reshape3A_55 = vector.shape_cast %slice3A_54 : vector<128x128xf32> to vector<1x16384xf32>
    %swap3A_56 = arith.constant 9 : index
    %swap3A_57 = arith.constant 0 : index
    %swap3A_58 = vector.load %arg3[%swap3A_56, %swap3A_57] : memref<10x16384xf32, #tpu.memory_space<vmem>>, vector<1x16384xf32>
    tpu.vector_store %arg3[%swap3A_56, %swap3A_57], %reshape3A_55 {strides = array<i32>} : memref<10x16384xf32, #tpu.memory_space<vmem>>, vector<1x16384xf32>,
    %reshape3A_59 = vector.shape_cast %get3A_4 : vector<2048x128xf32> to vector<128x16x128xf32>
    %transpose3A_60 = tpu.transpose %reshape3A_59, [1, 0, 2] : vector<128x16x128xf32> -> vector<16x128x128xf32>
    %reshape3A_61 = vector.shape_cast %transpose3A_60 : vector<16x128x128xf32> to vector<2048x128xf32>
    %transpose3A_62 = tpu.transpose %reshape3A_61, [1, 0] : vector<2048x128xf32> -> vector<128x2048xf32>
    %reshape3A_63 = vector.shape_cast %transpose3A_62 : vector<128x2048xf32> to vector<8x16x16x128xf32>
    %transpose3A_64 = tpu.transpose %reshape3A_63, [1, 2, 0, 3] : vector<8x16x16x128xf32> -> vector<16x16x8x128xf32>
    %reshape3A_65 = vector.shape_cast %transpose3A_64 : vector<16x16x8x128xf32> to vector<2048x128xf32>
    %transpose3A_66 = tpu.transpose %reshape3A_65, [1, 0] : vector<2048x128xf32> -> vector<128x2048xf32>
    %slice3A_67 = vector.extract_strided_slice %transpose3A_66 {offsets = [0, 0], sizes = [128, 128], strides = [1, 1]} : vector<128x2048xf32> to vector<128x128xf32>
    %reshape3A_68 = vector.shape_cast %slice3A_67 : vector<128x128xf32> to vector<1x16384xf32>
    %swap3A_69 = arith.constant 0 : index
    %swap3A_70 = arith.constant 0 : index
    %swap3A_71 = vector.load %arg4[%swap3A_69, %swap3A_70] : memref<10x16384xf32, #tpu.memory_space<vmem>>, vector<1x16384xf32>
    tpu.vector_store %arg4[%swap3A_69, %swap3A_70], %reshape3A_68 {strides = array<i32>} : memref<10x16384xf32, #tpu.memory_space<vmem>>, vector<1x16384xf32>,
    %slice3A_72 = vector.extract_strided_slice %transpose3A_66 {offsets = [0, 128], sizes = [128, 128], strides = [1, 1]} : vector<128x2048xf32> to vector<128x128xf32>
    %reshape3A_73 = vector.shape_cast %slice3A_72 : vector<128x128xf32> to vector<1x16384xf32>
    %swap3A_74 = arith.constant 1 : index
    %swap3A_75 = arith.constant 0 : index
    %swap3A_76 = vector.load %arg4[%swap3A_74, %swap3A_75] : memref<10x16384xf32, #tpu.memory_space<vmem>>, vector<1x16384xf32>
    tpu.vector_store %arg4[%swap3A_74, %swap3A_75], %reshape3A_73 {strides = array<i32>} : memref<10x16384xf32, #tpu.memory_space<vmem>>, vector<1x16384xf32>,
    %slice3A_77 = vector.extract_strided_slice %transpose3A_66 {offsets = [0, 256], sizes = [128, 128], strides = [1, 1]} : vector<128x2048xf32> to vector<128x128xf32>
    %reshape3A_78 = vector.shape_cast %slice3A_77 : vector<128x128xf32> to vector<1x16384xf32>
    %swap3A_79 = arith.constant 2 : index
    %swap3A_80 = arith.constant 0 : index
    %swap3A_81 = vector.load %arg4[%swap3A_79, %swap3A_80] : memref<10x16384xf32, #tpu.memory_space<vmem>>, vector<1x16384xf32>
    tpu.vector_store %arg4[%swap3A_79, %swap3A_80], %reshape3A_78 {strides = array<i32>} : memref<10x16384xf32, #tpu.memory_space<vmem>>, vector<1x16384xf32>,
    %slice3A_82 = vector.extract_strided_slice %transpose3A_66 {offsets = [0, 384], sizes = [128, 128], strides = [1, 1]} : vector<128x2048xf32> to vector<128x128xf32>
    %reshape3A_83 = vector.shape_cast %slice3A_82 : vector<128x128xf32> to vector<1x16384xf32>
    %swap3A_84 = arith.constant 3 : index
    %swap3A_85 = arith.constant 0 : index
    %swap3A_86 = vector.load %arg4[%swap3A_84, %swap3A_85] : memref<10x16384xf32, #tpu.memory_space<vmem>>, vector<1x16384xf32>
    tpu.vector_store %arg4[%swap3A_84, %swap3A_85], %reshape3A_83 {strides = array<i32>} : memref<10x16384xf32, #tpu.memory_space<vmem>>, vector<1x16384xf32>,
    %slice3A_87 = vector.extract_strided_slice %transpose3A_66 {offsets = [0, 512], sizes = [128, 128], strides = [1, 1]} : vector<128x2048xf32> to vector<128x128xf32>
    %reshape3A_88 = vector.shape_cast %slice3A_87 : vector<128x128xf32> to vector<1x16384xf32>
    %swap3A_89 = arith.constant 4 : index
    %swap3A_90 = arith.constant 0 : index
    %swap3A_91 = vector.load %arg4[%swap3A_89, %swap3A_90] : memref<10x16384xf32, #tpu.memory_space<vmem>>, vector<1x16384xf32>
    tpu.vector_store %arg4[%swap3A_89, %swap3A_90], %reshape3A_88 {strides = array<i32>} : memref<10x16384xf32, #tpu.memory_space<vmem>>, vector<1x16384xf32>,
    %slice3A_92 = vector.extract_strided_slice %transpose3A_66 {offsets = [0, 640], sizes = [128, 128], strides = [1, 1]} : vector<128x2048xf32> to vector<128x128xf32>
    %reshape3A_93 = vector.shape_cast %slice3A_92 : vector<128x128xf32> to vector<1x16384xf32>
    %swap3A_94 = arith.constant 5 : index
    %swap3A_95 = arith.constant 0 : index
    %swap3A_96 = vector.load %arg4[%swap3A_94, %swap3A_95] : memref<10x16384xf32, #tpu.memory_space<vmem>>, vector<1x16384xf32>
    tpu.vector_store %arg4[%swap3A_94, %swap3A_95], %reshape3A_93 {strides = array<i32>} : memref<10x16384xf32, #tpu.memory_space<vmem>>, vector<1x16384xf32>,
    %slice3A_97 = vector.extract_strided_slice %transpose3A_66 {offsets = [0, 768], sizes = [128, 128], strides = [1, 1]} : vector<128x2048xf32> to vector<128x128xf32>
    %reshape3A_98 = vector.shape_cast %slice3A_97 : vector<128x128xf32> to vector<1x16384xf32>
    %swap3A_99 = arith.constant 6 : index
    %swap3A_100 = arith.constant 0 : index
    %swap3A_101 = vector.load %arg4[%swap3A_99, %swap3A_100] : memref<10x16384xf32, #tpu.memory_space<vmem>>, vector<1x16384xf32>
    tpu.vector_store %arg4[%swap3A_99, %swap3A_100], %reshape3A_98 {strides = array<i32>} : memref<10x16384xf32, #tpu.memory_space<vmem>>, vector<1x16384xf32>,
    %slice3A_102 = vector.extract_strided_slice %transpose3A_66 {offsets = [0, 896], sizes = [128, 128], strides = [1, 1]} : vector<128x2048xf32> to vector<128x128xf32>
    %reshape3A_103 = vector.shape_cast %slice3A_102 : vector<128x128xf32> to vector<1x16384xf32>
    %swap3A_104 = arith.constant 7 : index
    %swap3A_105 = arith.constant 0 : index
    %swap3A_106 = vector.load %arg4[%swap3A_104, %swap3A_105] : memref<10x16384xf32, #tpu.memory_space<vmem>>, vector<1x16384xf32>
    tpu.vector_store %arg4[%swap3A_104, %swap3A_105], %reshape3A_103 {strides = array<i32>} : memref<10x16384xf32, #tpu.memory_space<vmem>>, vector<1x16384xf32>,
    %slice3A_107 = vector.extract_strided_slice %transpose3A_66 {offsets = [0, 1024], sizes = [128, 128], strides = [1, 1]} : vector<128x2048xf32> to vector<128x128xf32>
    %reshape3A_108 = vector.shape_cast %slice3A_107 : vector<128x128xf32> to vector<1x16384xf32>
    %swap3A_109 = arith.constant 8 : index
    %swap3A_110 = arith.constant 0 : index
    %swap3A_111 = vector.load %arg4[%swap3A_109, %swap3A_110] : memref<10x16384xf32, #tpu.memory_space<vmem>>, vector<1x16384xf32>
    tpu.vector_store %arg4[%swap3A_109, %swap3A_110], %reshape3A_108 {strides = array<i32>} : memref<10x16384xf32, #tpu.memory_space<vmem>>, vector<1x16384xf32>,
    %slice3A_112 = vector.extract_strided_slice %transpose3A_66 {offsets = [0, 1152], sizes = [128, 128], strides = [1, 1]} : vector<128x2048xf32> to vector<128x128xf32>
    %reshape3A_113 = vector.shape_cast %slice3A_112 : vector<128x128xf32> to vector<1x16384xf32>
    %swap3A_114 = arith.constant 9 : index
    %swap3A_115 = arith.constant 0 : index
    %swap3A_116 = vector.load %arg4[%swap3A_114, %swap3A_115] : memref<10x16384xf32, #tpu.memory_space<vmem>>, vector<1x16384xf32>
    tpu.vector_store %arg4[%swap3A_114, %swap3A_115], %reshape3A_113 {strides = array<i32>} : memref<10x16384xf32, #tpu.memory_space<vmem>>, vector<1x16384xf32>,
    %mul3A = arith.mulf %get3A_1, %get3A_4 : vector<2048x128xf32>
    %reduce_sum3A = arith.constant dense<0.000000e+00> : vector<128xf32>
    %reduce_sum3A_117 = vector.multi_reduction <add>, %mul3A, %reduce_sum3A [0] : vector<2048x128xf32> to vector<128xf32>
    %broadcast_in_dim3A = vector.shape_cast %reduce_sum3A_117 : vector<128xf32> to vector<1x128xf32>
    %mul3A_118 = arith.mulf %get3A_1, %get3A_1 : vector<2048x128xf32>
    %reduce_sum3A_119 = arith.constant dense<0.000000e+00> : vector<128xf32>
    %reduce_sum3A_120 = vector.multi_reduction <add>, %mul3A_118, %reduce_sum3A_119 [0] : vector<2048x128xf32> to vector<128xf32>
    %broadcast_in_dim3A_121 = vector.shape_cast %reduce_sum3A_120 : vector<128xf32> to vector<1x128xf32>
    %mul3A_122 = arith.mulf %get3A_4, %get3A_4 : vector<2048x128xf32>
    %reduce_sum3A_123 = arith.constant dense<0.000000e+00> : vector<128xf32>
    %reduce_sum3A_124 = vector.multi_reduction <add>, %mul3A_122, %reduce_sum3A_123 [0] : vector<2048x128xf32> to vector<128xf32>
    %broadcast_in_dim3A_125 = vector.shape_cast %reduce_sum3A_124 : vector<128xf32> to vector<1x128xf32>
    %broadcast_in_dim3A_126 = arith.constant 0.000000e+00 : f32
    %broadcast_in_dim3A_127 = vector.broadcast %broadcast_in_dim3A_126 : f32 to vector<1x16xf32>
    %broadcast_in_dim3A_128 = arith.constant 0.000000e+00 : f32
    %broadcast_in_dim3A_129 = vector.broadcast %broadcast_in_dim3A_128 : f32 to vector<1x16xf32>
    %broadcast_in_dim3A_130 = arith.constant 0.000000e+00 : f32
    %broadcast_in_dim3A_131 = vector.broadcast %broadcast_in_dim3A_130 : f32 to vector<1x16xf32>
    %slice3A_132 = vector.extract_strided_slice %broadcast_in_dim3A {offsets = [0, 0], sizes = [1, 16], strides = [1, 1]} : vector<1x128xf32> to vector<1x16xf32>
    %add3A = arith.addf %broadcast_in_dim3A_127, %slice3A_132 : vector<1x16xf32>
    %slice3A_133 = vector.extract_strided_slice %broadcast_in_dim3A_121 {offsets = [0, 0], sizes = [1, 16], strides = [1, 1]} : vector<1x128xf32> to vector<1x16xf32>
    %add3A_134 = arith.addf %broadcast_in_dim3A_129, %slice3A_133 : vector<1x16xf32>
    %slice3A_135 = vector.extract_strided_slice %broadcast_in_dim3A_125 {offsets = [0, 0], sizes = [1, 16], strides = [1, 1]} : vector<1x128xf32> to vector<1x16xf32>
    %add3A_136 = arith.addf %broadcast_in_dim3A_131, %slice3A_135 : vector<1x16xf32>
    %slice3A_137 = vector.extract_strided_slice %broadcast_in_dim3A {offsets = [0, 16], sizes = [1, 16], strides = [1, 1]} : vector<1x128xf32> to vector<1x16xf32>
    %add3A_138 = arith.addf %add3A, %slice3A_137 : vector<1x16xf32>
    %slice3A_139 = vector.extract_strided_slice %broadcast_in_dim3A_121 {offsets = [0, 16], sizes = [1, 16], strides = [1, 1]} : vector<1x128xf32> to vector<1x16xf32>
    %add3A_140 = arith.addf %add3A_134, %slice3A_139 : vector<1x16xf32>
    %slice3A_141 = vector.extract_strided_slice %broadcast_in_dim3A_125 {offsets = [0, 16], sizes = [1, 16], strides = [1, 1]} : vector<1x128xf32> to vector<1x16xf32>
    %add3A_142 = arith.addf %add3A_136, %slice3A_141 : vector<1x16xf32>
    %slice3A_143 = vector.extract_strided_slice %broadcast_in_dim3A {offsets = [0, 32], sizes = [1, 16], strides = [1, 1]} : vector<1x128xf32> to vector<1x16xf32>
    %add3A_144 = arith.addf %add3A_138, %slice3A_143 : vector<1x16xf32>
    %slice3A_145 = vector.extract_strided_slice %broadcast_in_dim3A_121 {offsets = [0, 32], sizes = [1, 16], strides = [1, 1]} : vector<1x128xf32> to vector<1x16xf32>
    %add3A_146 = arith.addf %add3A_140, %slice3A_145 : vector<1x16xf32>
    %slice3A_147 = vector.extract_strided_slice %broadcast_in_dim3A_125 {offsets = [0, 32], sizes = [1, 16], strides = [1, 1]} : vector<1x128xf32> to vector<1x16xf32>
    %add3A_148 = arith.addf %add3A_142, %slice3A_147 : vector<1x16xf32>
    %slice3A_149 = vector.extract_strided_slice %broadcast_in_dim3A {offsets = [0, 48], sizes = [1, 16], strides = [1, 1]} : vector<1x128xf32> to vector<1x16xf32>
    %add3A_150 = arith.addf %add3A_144, %slice3A_149 : vector<1x16xf32>
    %slice3A_151 = vector.extract_strided_slice %broadcast_in_dim3A_121 {offsets = [0, 48], sizes = [1, 16], strides = [1, 1]} : vector<1x128xf32> to vector<1x16xf32>
    %add3A_152 = arith.addf %add3A_146, %slice3A_151 : vector<1x16xf32>
    %slice3A_153 = vector.extract_strided_slice %broadcast_in_dim3A_125 {offsets = [0, 48], sizes = [1, 16], strides = [1, 1]} : vector<1x128xf32> to vector<1x16xf32>
    %add3A_154 = arith.addf %add3A_148, %slice3A_153 : vector<1x16xf32>
    %slice3A_155 = vector.extract_strided_slice %broadcast_in_dim3A {offsets = [0, 64], sizes = [1, 16], strides = [1, 1]} : vector<1x128xf32> to vector<1x16xf32>
    %add3A_156 = arith.addf %add3A_150, %slice3A_155 : vector<1x16xf32>
    %slice3A_157 = vector.extract_strided_slice %broadcast_in_dim3A_121 {offsets = [0, 64], sizes = [1, 16], strides = [1, 1]} : vector<1x128xf32> to vector<1x16xf32>
    %add3A_158 = arith.addf %add3A_152, %slice3A_157 : vector<1x16xf32>
    %slice3A_159 = vector.extract_strided_slice %broadcast_in_dim3A_125 {offsets = [0, 64], sizes = [1, 16], strides = [1, 1]} : vector<1x128xf32> to vector<1x16xf32>
    %add3A_160 = arith.addf %add3A_154, %slice3A_159 : vector<1x16xf32>
    %slice3A_161 = vector.extract_strided_slice %broadcast_in_dim3A {offsets = [0, 80], sizes = [1, 16], strides = [1, 1]} : vector<1x128xf32> to vector<1x16xf32>
    %add3A_162 = arith.addf %add3A_156, %slice3A_161 : vector<1x16xf32>
    %slice3A_163 = vector.extract_strided_slice %broadcast_in_dim3A_121 {offsets = [0, 80], sizes = [1, 16], strides = [1, 1]} : vector<1x128xf32> to vector<1x16xf32>
    %add3A_164 = arith.addf %add3A_158, %slice3A_163 : vector<1x16xf32>
    %slice3A_165 = vector.extract_strided_slice %broadcast_in_dim3A_125 {offsets = [0, 80], sizes = [1, 16], strides = [1, 1]} : vector<1x128xf32> to vector<1x16xf32>
    %add3A_166 = arith.addf %add3A_160, %slice3A_165 : vector<1x16xf32>
    %slice3A_167 = vector.extract_strided_slice %broadcast_in_dim3A {offsets = [0, 96], sizes = [1, 16], strides = [1, 1]} : vector<1x128xf32> to vector<1x16xf32>
    %add3A_168 = arith.addf %add3A_162, %slice3A_167 : vector<1x16xf32>
    %slice3A_169 = vector.extract_strided_slice %broadcast_in_dim3A_121 {offsets = [0, 96], sizes = [1, 16], strides = [1, 1]} : vector<1x128xf32> to vector<1x16xf32>
    %add3A_170 = arith.addf %add3A_164, %slice3A_169 : vector<1x16xf32>
    %slice3A_171 = vector.extract_strided_slice %broadcast_in_dim3A_125 {offsets = [0, 96], sizes = [1, 16], strides = [1, 1]} : vector<1x128xf32> to vector<1x16xf32>
    %add3A_172 = arith.addf %add3A_166, %slice3A_171 : vector<1x16xf32>
    %slice3A_173 = vector.extract_strided_slice %broadcast_in_dim3A {offsets = [0, 112], sizes = [1, 16], strides = [1, 1]} : vector<1x128xf32> to vector<1x16xf32>
    %add3A_174 = arith.addf %add3A_168, %slice3A_173 : vector<1x16xf32>
    %slice3A_175 = vector.extract_strided_slice %broadcast_in_dim3A_121 {offsets = [0, 112], sizes = [1, 16], strides = [1, 1]} : vector<1x128xf32> to vector<1x16xf32>
    %add3A_176 = arith.addf %add3A_170, %slice3A_175 : vector<1x16xf32>
    %slice3A_177 = vector.extract_strided_slice %broadcast_in_dim3A_125 {offsets = [0, 112], sizes = [1, 16], strides = [1, 1]} : vector<1x128xf32> to vector<1x16xf32>
    %add3A_178 = arith.addf %add3A_172, %slice3A_177 : vector<1x16xf32>
    %sqrt3A = math.sqrt %add3A_176 : vector<1x16xf32>
    %sqrt3A_179 = math.sqrt %add3A_178 : vector<1x16xf32>
    %mul3A_180 = arith.mulf %sqrt3A, %sqrt3A_179 : vector<1x16xf32>
    %max3A = arith.constant 9.99999993E-9 : f32
    %max3A_181 = vector.broadcast %max3A : f32 to vector<1x16xf32>
    %max3A_182 = arith.maximumf %mul3A_180, %max3A_181 : vector<1x16xf32>
    %div3A = arith.divf %add3A_174, %max3A_182 : vector<1x16xf32>
    %slice3A_183 = vector.extract_strided_slice %div3A {offsets = [0, 0], sizes = [1, 10], strides = [1, 1]} : vector<1x16xf32> to vector<1x10xf32>
    %swap3A_184 = arith.constant 0 : index
    %swap3A_185 = arith.constant 0 : index
    %swap3A_186 = vector.load %arg2[%swap3A_184, %swap3A_185] : memref<1x10xf32, #tpu.memory_space<vmem>>, vector<1x10xf32>
    tpu.vector_store %arg2[%swap3A_184, %swap3A_185], %slice3A_183 {strides = array<i32>} : memref<1x10xf32, #tpu.memory_space<vmem>>, vector<1x10xf32>,
    return
  }
}

</mosaic_0001>

<sc_bundles>
// kernel: kernel.5.cloned.1.call-start
scs
__scs_entry_jumppad:
0x0: {  	(pc) =	sbr.rel $0x88, $3  }
0x1: {  	(tag) =	ssettag $0x0;
	lr =	simm.s32 $0x1  }
0x2: {  	[smem:$0x3F9C] =	sst lr;
	_ =	strace $0xD0000000  }
0x3: {  	_ = 	snop  }
0x4: {  	_ = 	snop  }
0x5: {  	_ = 	snop  }
0x6: {  	_ = 	snop  }
0x7: {  	_ = 	snop  }
__scs_overlays_trampoline_lowered:
0x8: {  	[smem:$0x3FAB] =	sst s0  }
0x9: {  	[smem:$0x3FAC] =	sst s1  }
0xa: {  	[smem:$0x3FAD] =	sst s2  }
0xb: {  	[smem:$0x3FAE] =	sst s3  }
0xc: {  	[smem:$0x3FAF] =	sst s4  }
0xd: {  	[smem:$0x3FB0] =	sst s5  }
0xe: {  	[smem:$0x3FB1] =	sst s6  }
0xf: {  	[smem:$0x3FB2] =	sst s7  }
0x10: {  	[smem:$0x3FB3] =	sst s8  }
0x11: {  	[smem:$0x3FB4] =	sst s9;
	s0 =	simm.s32 @!p0 $0x0  }
0x12: {  	s1 =	sld [smem:$0x3F9A];
	s0 =	simm.s32 @p0 $0x1  }
0x13: {  	[smem:$0x3FB5] =	sst s0;
	s0 =	simm.s32 @!p1 $0x0  }
0x14: {  	s2 =	sld [smem:$0x3F99];
	s0 =	simm.s32 @p1 $0x1  }
0x15: {  	[smem:$0x3FB6] =	sst s0;
	s0 =	simm.s32 @!p2 $0x0  }
0x16: {  	s3 =	sld [smem:$0x3FDB];
	s0 =	simm.s32 @p2 $0x1  }
0x17: {  	s4 =	simm.s32 $0x1BF5;
	[smem:$0x3FB8] =	sst s0  }
0x18: {  	s0 =	sld [smem:$0x3F9B];
	_ =	swait.ge [sflag:s4], $0x0  }
0x19: {  	s7 =	sld [smem:$0x3F9C]  }
0x1a: {  	s8 =	sadd.s32 $0xFFFFE003, lr  }
0x1b: {  	s9 =	sadd.s32 $0xFFFFFEF7, lr;
	s5 =	simm.s32 $0xFFFFFFFF;
	p2 =	slt.u32 s8, $0xFFFFF086  }
0x1c: {  	p1 =	slt.u32 s9, $0xF7A;
	s5 =	simm.s32 @!p2 $0x0  }
0x1d: {  	s5 =	simm.s32 @p1 $0x1;
	p0 =	seq.s32 s7, s2  }
0x1e: {  	s7 =	smul.u32 @!p0 $0xF7A, s2;
	p2 =	seq.s32 @!p0 s5, $0x0  }
0x1f: {  	s9 =	smul.u32 $0xF7A, s1;
	s8 =	simm.s32 @!p0 $0x1BF5;
	p2 =	por !p2, p0  }
0x20: {  	[sflag:s8] =	ssyncset.s32 @!p0 $0xFFFFF086;
	s6 =	sadd.s32 @!p0 s3, s7;
	s7 =	simm.s32 @!p0 $0x108  }
0x21: {  	s3 =	sadd.s32 s3, s9;
	s6 =	sadd.s32 @!p0 $0x88, s6;
	s7 =	simm.s32 @p2 $0x1082  }
0x22: {  	[simem:s7], [sflag:s8] =	dma.local @!p0 [hbm:s6], $0xF7A  }
0x23: {  	s9 =	sor.u32 $0xD0000000, s2;
	s6 =	simm.s32 $0x108;
	_ =	swait.ge @!p0 [sflag:s8], $0x0  }
0x24: {  	s3 =	sadd.s32 $0x88, s3;
	s6 =	simm.s32 @!p1 $0x1082;
	[sflag:s4] =	ssyncset.s32 $0xFFFFF086  }
0x25: {  	[simem:s6], [sflag:s4] =	dma.local [hbm:s3], $0xF7A  }
0x26: {  	[smem:$0x3F9C] =	sst s1;
	(tag) =	ssettag s2;
	_ =	strace s9  }
0x27: {  	s1 =	sld [smem:$0x3FAC]  }
0x28: {  	s2 =	sld [smem:$0x3FAD]  }
0x29: {  	s4 =	sld [smem:$0x3FAF]  }
0x2a: {  	p0 =	seq.s32 s5, $0x0;
	s5 =	sld [smem:$0x3FB0]  }
0x2b: {  	s6 =	sld [smem:$0x3FB1]  }
0x2c: {  	s7 =	sld [smem:$0x3FB2]  }
0x2d: {  	s3 =	simm.s32 $0x108;
	s8 =	sld [smem:$0x3FB3]  }
0x2e: {  	s3 =	simm.s32 @!p0 $0x1082;
	s9 =	sld [smem:$0x3FB4]  }
0x2f: {  	lr =	sadd.s32 s0, s3;
	s0 =	sld [smem:$0x3FAB]  }
0x30: {  	s3 =	sld [smem:$0x3FAE]  }
0x31: {  	[smem:$0x3FB7] =	sst s10  }
0x32: {  	s10 =	sld [smem:$0x3FB5];
	_ =	sdelay $0x3  }
0x33: {  	p0 =	seq.s32 s10, $0x1;
	s10 =	sld [smem:$0x3FB7];
	_ =	sdelay $0x3  }
0x34: {  	[smem:$0x3FB7] =	sst s10  }
0x35: {  	s10 =	sld [smem:$0x3FB6];
	_ =	sdelay $0x3  }
0x36: {  	p1 =	seq.s32 s10, $0x1;
	s10 =	sld [smem:$0x3FB7];
	_ =	sdelay $0x3  }
0x37: {  	[smem:$0x3FB7] =	sst s10  }
0x38: {  	s10 =	sld [smem:$0x3FB8]  }
0x39: {  	_ = 	snop;
	(pc) =	sbr.ind lr, $3  }
0x3a: {  	_ = 	snop  }
0x3b: {  	_ = 	snop  }
0x3c: {  	p2 =	seq.s32 s10, $0x1;
	s10 =	sld [smem:$0x3FB7]  }
0x3d: {  	_ =	shalt  }
0x3e: {  	_ =	shalt  }
0x3f: {  	_ =	shalt  }
0x40: {  	_ =	shalt  }
0x41: {  	_ =	shalt  }
0x42: {  	_ =	shalt  }
0x43: {  	_ =	shalt  }
0x44: {  	_ =	shalt  }
0x45: {  	_ =	shalt  }
0x46: {  	_ =	shalt  }
0x47: {  	_ =	shalt  }
0x48: {  	_ =	shalt  }
0x49: {  	_ =	shalt  }
0x4a: {  	_ =	shalt  }
0x4b: {  	_ =	shalt  }
0x4c: {  	_ =	shalt  }
0x4d: {  	_ =	shalt  }
0x4e: {  	_ =	shalt  }
0x4f: {  	_ =	shalt  }
0x50: {  	_ =	shalt  }
0x51: {  	_ =	shalt  }
0x52: {  	_ =	shalt  }
0x53: {  	_ =	shalt  }
0x54: {  	_ =	shalt  }
0x55: {  	_ =	shalt  }
0x56: {  	_ =	shalt  }
0x57: {  	_ =	shalt  }
0x58: {  	_ =	shalt  }
0x59: {  	_ =	shalt  }
0x5a: {  	_ =	shalt  }
0x5b: {  	_ =	shalt  }
0x5c: {  	_ =	shalt  }
0x5d: {  	_ =	shalt  }
0x5e: {  	_ =	shalt  }
0x5f: {  	_ =	shalt  }
0x60: {  	_ =	shalt  }
0x61: {  	_ =	shalt  }
0x62: {  	_ =	shalt  }
0x63: {  	_ =	shalt  }
0x64: {  	_ =	shalt  }
0x65: {  	_ =	shalt  }
0x66: {  	_ =	shalt  }
0x67: {  	_ =	shalt  }
0x68: {  	_ =	shalt  }
0x69: {  	_ =	shalt  }
0x6a: {  	_ =	shalt  }
0x6b: {  	_ =	shalt  }
0x6c: {  	_ =	shalt  }
0x6d: {  	_ =	shalt  }
0x6e: {  	_ =	shalt  }
0x6f: {  	_ =	shalt  }
0x70: {  	_ =	shalt  }
0x71: {  	_ =	shalt  }
0x72: {  	_ =	shalt  }
0x73: {  	_ =	shalt  }
0x74: {  	_ =	shalt  }
0x75: {  	_ =	shalt  }
0x76: {  	_ =	shalt  }
0x77: {  	_ =	shalt  }
0x78: {  	_ =	shalt  }
0x79: {  	_ =	shalt  }
0x7a: {  	_ =	shalt  }
0x7b: {  	_ =	shalt  }
0x7c: {  	_ =	shalt  }
0x7d: {  	_ =	shalt  }
0x7e: {  	_ =	shalt  }
0x7f: {  	_ =	shalt  }
0x80: {  	_ =	shalt  }
0x81: {  	_ =	shalt  }
0x82: {  	_ =	shalt  }
0x83: {  	_ =	shalt  }
0x84: {  	_ =	shalt  }
0x85: {  	_ =	shalt  }
0x86: {  	_ =	shalt  }
0x87: {  	_ =	shalt  }
.Lfunc_end0:
.L_simem_size_0:
called_computation_lowered:
.L_overlay_start_0:
0x88: {  	s2 =	sld [smem:$0x3FD9]  }
0x89: {  	s3 =	sld [smem:$0x3FFE];
	_ =	sdelay $0x1  }
0x8a: {  	s1 =	srdreg.scid  }
0x8b: {  	s0 =	sand.u32 $0x1, s1  }
0x8c: {  	s14 =	sshll.u32 s0, $0xA;
	s2 =	sadd.s32 s3, s2  }
0x8d: {  	s2 =	sadd.s32 s2, s14  }
0x8e: {  	[smem:$0x3FC3] =	sst s2  }
0x8f: {  	_ = 	snop  }
0x90: {  	s2 =	sld [smem:$0x3FD0];
	_ =	sdelay $0x1  }
0x91: {  	s15 =	sld [smem:$0x3FC9]  }
0x92: {  	s5 =	simm.s32 $0xA;
	s6 =	simm.s32 $0x10;
	s4 =	sld [smem:$0x3FC8]  }
0x93: {  	[smem:s6], [sflag:s5] =	dma.local [hbm:s2], $0x1  }
0x94: {  	_ =	swait.eq [sflag:s5], $0x1  }
0x95: {  	[sflag:s5] =	ssyncset.done $0x0  }
0x96: {  	[sflag:s5] =	ssyncadd.s32 $0xFFFFFFFF  }
0x97: {  	s16 =	sld [smem:$0x12];
	(tm) =	ssettm $0x1  }
0x98: {  	s17 =	sld [smem:$0x3FFB];
	_ =	sdelay $0x3  }
0x99: {  	_ =	strace s17  }
0x9a: {  	s5 =	sld [smem:$0x3FFC];
	_ =	sdelay $0x3  }
0x9b: {  	_ =	strace s5  }
0x9c: {  	s5 =	sld [smem:$0x3FFD];
	_ =	sdelay $0x3  }
0x9d: {  	_ =	strace s5  }
0x9e: {  	_ =	strace $0x8FFFFFFF  }
0x9f: {  	s18 =	sld [smem:$0x3FDB];
	_ =	sdelay $0x1  }
0xa0: {  	s19 =	simm.s32 $_scs_section_size  }
0xa1: {  	s7 =	simm.s32 $_size__tile_overlayer_lowered;
	s8 =	simm.s32 $_tile_overlayer_lowered  }
0xa2: {  	s22 =	simm.s32 $0x1BFF;
	s21 =	sshll.u32 s8, $0x1;
	s5 =	sadd.s32 s19, s18  }
0xa3: {  	s9 =	simm.s32 $0x0;
	s20 =	sshll.u32 s7, $0x1;
	s7 =	sadd.s32 s21, s5  }
0xa4: {  	[timem:s9], [sflag:s22] =	dma.local [hbm:s7], s20  }
0xa5: {  	_ =	swait.ge [sflag:s22], s20  }
0xa6: {  	s6 =	ssub.s32 $0x0, s20;
	[sflag:s22] =	ssyncset.done $0x0  }
0xa7: {  	[sflag:s22] =	ssyncadd.s32 s6;
	_ =	sdelay $0x1  }
0xa8: {  	s23 =	simm.s32 $0x1B8B  }
0xa9: {  	_ =	swait.ge [sflag:s23], $0x1  }
0xaa: {  	[sflag:s23] =	ssyncset.done $0x0  }
0xab: {  	s25 =	simm.s32 $0x1B8E;
	s24 =	sld [smem:$0x3FFE];
	[sflag:s23] =	ssyncadd.s32 $0xFFFFFFFF  }
0xac: {  	s26 =	simm.s32 $execute0_lowered;
	[smem:$0x3FD2] =	sst s25  }
0xad: {  	s7 =	sshll.u32 s26, $0x1;
	_ =	strace $0x80000046;
	[dreg:$0x1] =	wrdreg $0xFFFFFFFF  }
0xae: {  	s28 =	simm.s32 $_size_execute0_lowered;
	s5 =	sadd.s32 s5, s7;
	[dreg:$0x0] =	wrdreg $0x0  }
0xaf: {  	s7 =	sshll.u32 s28, $0x1;
	[dreg:$0x2] =	wrdreg s5  }
0xb0: {  	[dreg:$0x3] =	wrdreg s7  }
0xb1: {  	[dreg:$0x4] =	wrdreg $0xC0  }
0xb2: {  	_ =	task [dreg:s9], $0x5FFFF  }
0xb3: {  	[dreg:$0x1] =	wrdreg $0xFFFFFFFF  }
0xb4: {  	[dreg:$0x0] =	wrdreg $0x60  }
0xb5: {  	[dreg:$0x2] =	wrdreg s16  }
0xb6: {  	[dreg:$0x3] =	wrdreg s15  }
0xb7: {  	[dreg:$0x4] =	wrdreg s4  }
0xb8: {  	[dreg:$0x5] =	wrdreg s24  }
0xb9: {  	[dreg:$0x6] =	wrdreg $0x9  }
0xba: {  	_ =	task.clear_ibuf [dreg:s9], $0x7FFFF;
	_ =	strace $0x90000046  }
0xbb: {  	s29 =	simm.s32 $0x9;
	_ =	strace $0x80000048  }
0xbc: {  	_ =	swait.ge [sflag:s29], $0x1  }
0xbd: {  	[sflag:s29] =	ssyncadd.s32 $0xFFFFFFFF  }
0xbe: {  	_ =	strace $0x90000048  }
0xbf: {  	_ =	sfence  }
0xc0: {  	s30 =	sld [smem:$0x0];
	_ =	sdelay $0x2  }
0xc1: {  	s31 =	sshll.u32 s1, $0xD;
	s1 =	sshrl.u32 s1, $0x2  }
0xc2: {  	s3 =	sand.u32 $0x4000, s31;
	s1 =	sadd.s32 s1, s30  }
0xc3: {  	s0 =	sor.u32 s3, s0;
	s1 =	sshll.u32 s1, $0x11  }
0xc4: {  	s0 =	sor.u32 s1, s0  }
0xc5: {  	s0 =	sadd.s32 $0x8F2B, s0  }
0xc6: {  	[sflag:s0] =	ssyncadd.remote.s32 $0x1  }
0xc7: {  	_ =	sfence.sel $0xFFFF  }
0xc8: {  	[dreg:$0x0] =	wrdreg $0xFFFFFFFF;
	(pc) =	sbr.abs _section_cstart, $3  }
0xc9: {  	[dreg:$0x1] =	wrdreg $0xFFFFFFFF  }
0xca: {  	_ =	task.clear_ibuf [dreg:s9], $0x2FFFF;
	_ =	strace $0x9FFFFFFF  }
0xcb: {  	(tm) =	ssettm $0x7FFFFFFF  }
tec
execute0_lowered:
.L_overlay_start_1:
0x0: {  	(tag) =	ssettag $0x1  }
0x1: {  	s1 =	rddreg [dreg:$0x0]  }
0x2: {  	s4 =	rddreg [dreg:$0x1];
	s2 =	srdreg.scid  }
0x3: {  	s6 =	rddreg [dreg:$0x2];
	s0 =	stileid.u32;
	s26 =	sand.u32 $0x1, s2  }
0x4: {  	s23 =	rddreg [dreg:$0x3];
	s5 =	sshll.u32 s0, $0xA;
	s7 =	sshll.u32 s26, $0x9  }
0x5: {  	s3 =	simm.s32 $0x0;
	s2 =	rddreg [dreg:$0x4];
	s24 =	sor.u32 s7, s5  }
0x6: {  	[smem:$0x7FF] =	sst s3;
	s7 =	sshrl.u32 s24, $0x3  }
0x7: {  	_ =	strace $0x80000047;
	s5 =	simm.s32 $0x4;
	s4 =	sadd.s32 s4, s7  }
0x8: {  	[tilespmem:s3], [sflag:$0x4] =	stream.linear.gather [hbm4b:s4+s3], $0x200, $0x38;
	[tilespmem:$0x4400] =	vst v63  }
0x9: {  	_ =	swait.ge [sflag:s5], $0x200  }
0xa: {  	[sflag:s5] =	ssyncset.done $0x0  }
0xb: {  	s6 =	sadd.s32 s6, s7;
	s7 =	simm.s32 $0x200;
	[sflag:s5] =	ssyncadd.s32 $0xFFFFFE00  }
0xc: {  	[tilespmem:s7], [sflag:$0x4] =	stream.linear.gather [hbm4b:s6+s3], $0x200, $0x38;
	[tilespmem:$0x4400] =	vst v63  }
0xd: {  	_ =	swait.ge [sflag:s5], $0x200  }
0xe: {  	[sflag:s5] =	ssyncset.done $0x0  }
0xf: {  	s8 =	simm.s32 $0x80;
	s9 =	simm.s32 $0x400;
	[sflag:s5] =	ssyncadd.s32 $0xFFFFFE00  }
0x10: {  	[tilespmem:s9], [sflag:$0x1] =	stream.indirect.gather [hbm4b:s1+s8], $0x10, s3, s8, $0xb8;
	[tilespmem:$0x4400] =	vst v63  }
0x11: {  	s10 =	simm.s32 $0x2400  }
0x12: {  	[tilespmem:s10], [sflag:$0x2] =	stream.indirect.gather [hbm4b:s1+s8], $0x10, s7, s8, $0xb8;
	[tilespmem:$0x4400] =	vst v63  }
0x13: {  	s11 =	simm.s32 $0xC00  }
0x14: {  	[tilespmem:s11], [sflag:$0x1] =	stream.indirect.gather [hbm4b:s1+s8], $0x10, s8, s8, $0xb8;
	[tilespmem:$0x4400] =	vst v63  }
0x15: {  	s12 =	simm.s32 $0x280;
	s13 =	simm.s32 $0x2C00  }
0x16: {  	[tilespmem:s13], [sflag:$0x2] =	stream.indirect.gather [hbm4b:s1+s8], $0x10, s12, s8, $0xb8;
	[tilespmem:$0x4400] =	vst v63  }
0x17: {  	s14 =	simm.s32 $0x100;
	s15 =	simm.s32 $0x1400  }
0x18: {  	[tilespmem:s15], [sflag:$0x1] =	stream.indirect.gather [hbm4b:s1+s8], $0x10, s14, s8, $0xb8;
	[tilespmem:$0x4400] =	vst v63  }
0x19: {  	s16 =	simm.s32 $0x300;
	s17 =	simm.s32 $0x3400  }
0x1a: {  	[tilespmem:s17], [sflag:$0x2] =	stream.indirect.gather [hbm4b:s1+s8], $0x10, s16, s8, $0xb8;
	[tilespmem:$0x4400] =	vst v63  }
0x1b: {  	s18 =	simm.s32 $0x180;
	s19 =	simm.s32 $0x1C00  }
0x1c: {  	[tilespmem:s19], [sflag:$0x1] =	stream.indirect.gather [hbm4b:s1+s8], $0x10, s18, s8, $0xb8;
	[tilespmem:$0x4400] =	vst v63  }
0x1d: {  	s20 =	simm.s32 $0x380;
	s21 =	simm.s32 $0x3C00;
	s22 =	simm.s32 $0x1  }
0x1e: {  	[tilespmem:s21], [sflag:$0x2] =	stream.indirect.gather [hbm4b:s1+s8], $0x10, s20, s8, $0xb8;
	[tilespmem:$0x4400] =	vst v63  }
0x1f: {  	_ =	swait.ge [sflag:s22], $0x800  }
0x20: {  	[sflag:s22] =	ssyncset.done $0x0  }
0x21: {  	[sflag:s22] =	ssyncadd.s32 $0xFFFFF800  }
0x22: {  	_ =	swait.ge [sflag:s22], $0x800  }
0x23: {  	[sflag:s22] =	ssyncset.done $0x0  }
0x24: {  	[sflag:s22] =	ssyncadd.s32 $0xFFFFF800  }
0x25: {  	_ =	swait.ge [sflag:s22], $0x800  }
0x26: {  	[sflag:s22] =	ssyncset.done $0x0  }
0x27: {  	[sflag:s22] =	ssyncadd.s32 $0xFFFFF800  }
0x28: {  	s24 =	sshll.u32 s24, $0x1;
	_ =	swait.ge [sflag:s22], $0x800  }
0x29: {  	s25 =	sadd.s32 s24, s23;
	[sflag:s22] =	ssyncset.done $0x0  }
0x2a: {  	s24 =	simm.s32 $0x2;
	s23 =	sadd.s32 $0x1200, s25;
	[sflag:s22] =	ssyncadd.s32 $0xFFFFF800  }
0x2b: {  	[hbm4b:s23+s3] =	stream.linear.scatter [tilespmem:s9], [sflag:$0x3], $0x2000, $0x38;
	[tilespmem:$0x4400] =	vst v63  }
0x2c: {  	_ =	swait.ge [sflag:s24], $0x800  }
0x2d: {  	[sflag:s24] =	ssyncset.done $0x0  }
0x2e: {  	[sflag:s24] =	ssyncadd.s32 $0xFFFFF800  }
0x2f: {  	_ =	swait.ge [sflag:s24], $0x800  }
0x30: {  	[sflag:s24] =	ssyncset.done $0x0  }
0x31: {  	[sflag:s24] =	ssyncadd.s32 $0xFFFFF800  }
0x32: {  	_ =	swait.ge [sflag:s24], $0x800  }
0x33: {  	s28 =	ssub.s32 $0x2, s26;
	[sflag:s24] =	ssyncset.done $0x0  }
0x34: {  	s29 =	sshrl.u32 s28, $0x1;
	[sflag:s24] =	ssyncadd.s32 $0xFFFFF800  }
0x35: {  	s28 =	ssub.s32 s28, s29;
	_ =	swait.ge [sflag:s24], $0x800  }
0x36: {  	s26 =	simm.s32 $0x3;
	s28 =	smax.u32 s28, $0x1;
	[sflag:s24] =	ssyncset.done $0x0  }
0x37: {  	s25 =	sadd.s32 $0x9200, s25;
	p0 =	sne.s32 s28, $0x1;
	[sflag:s24] =	ssyncadd.s32 $0xFFFFF800  }
0x38: {  	[hbm4b:s25+s3] =	stream.linear.scatter [tilespmem:s10], [sflag:$0x3], $0x2000, $0x38;
	[tilespmem:$0x4400] =	vst v63  }
.Ltmp0:
0x39: {  	_ =	swait.ge [sflag:s26], $0x2000;
	(pc) =	sbr.rel @!p0 .LBB2_2-.Ltmp0, $4  }
0x3a: {  	[sflag:s26] =	ssyncset.done $0x0  }
0x3b: {  	[sflag:s26] =	ssyncadd.s32 $0xFFFFE000  }
0x3c: {  	_ =	swait.ge [sflag:s26], $0x2000  }
0x3d: {  	s28 =	sadd.s32 $0xFFFFFFFF, s28;
	[sflag:s26] =	ssyncset.done $0x0  }
.LBB2_1:
0x3e: {  	p0 =	sne.s32 s28, $0x1;
	s28 =	sadd.s32 $0xFFFFFFFF, s28;
	[sflag:s26] =	ssyncadd.s32 $0xFFFFE000  }
0x3f: {  	[tilespmem:s3], [sflag:$0x4] =	stream.linear.gather [hbm4b:s4+s3], $0x200, $0x38;
	[tilespmem:$0x4400] =	vst v63  }
0x40: {  	_ =	swait.ge [sflag:s5], $0x200  }
0x41: {  	[sflag:s5] =	ssyncset.done $0x0  }
0x42: {  	[sflag:s5] =	ssyncadd.s32 $0xFFFFFE00  }
0x43: {  	[tilespmem:s7], [sflag:$0x4] =	stream.linear.gather [hbm4b:s6+s3], $0x200, $0x38;
	[tilespmem:$0x4400] =	vst v63  }
0x44: {  	_ =	swait.ge [sflag:s5], $0x200  }
0x45: {  	[sflag:s5] =	ssyncset.done $0x0  }
0x46: {  	[sflag:s5] =	ssyncadd.s32 $0xFFFFFE00  }
0x47: {  	[tilespmem:s9], [sflag:$0x1] =	stream.indirect.gather [hbm4b:s1+s8], $0x10, s3, s8, $0xb8;
	[tilespmem:$0x4400] =	vst v63  }
0x48: {  	_ = 	snop  }
0x49: {  	[tilespmem:s10], [sflag:$0x2] =	stream.indirect.gather [hbm4b:s1+s8], $0x10, s7, s8, $0xb8;
	[tilespmem:$0x4400] =	vst v63  }
0x4a: {  	_ = 	snop  }
0x4b: {  	[tilespmem:s11], [sflag:$0x1] =	stream.indirect.gather [hbm4b:s1+s8], $0x10, s8, s8, $0xb8;
	[tilespmem:$0x4400] =	vst v63  }
0x4c: {  	_ = 	snop  }
0x4d: {  	[tilespmem:s13], [sflag:$0x2] =	stream.indirect.gather [hbm4b:s1+s8], $0x10, s12, s8, $0xb8;
	[tilespmem:$0x4400] =	vst v63  }
0x4e: {  	_ = 	snop  }
0x4f: {  	[tilespmem:s15], [sflag:$0x1] =	stream.indirect.gather [hbm4b:s1+s8], $0x10, s14, s8, $0xb8;
	[tilespmem:$0x4400] =	vst v63  }
0x50: {  	_ = 	snop  }
0x51: {  	[tilespmem:s17], [sflag:$0x2] =	stream.indirect.gather [hbm4b:s1+s8], $0x10, s16, s8, $0xb8;
	[tilespmem:$0x4400] =	vst v63  }
0x52: {  	_ = 	snop  }
0x53: {  	[tilespmem:s19], [sflag:$0x1] =	stream.indirect.gather [hbm4b:s1+s8], $0x10, s18, s8, $0xb8;
	[tilespmem:$0x4400] =	vst v63  }
0x54: {  	_ = 	snop  }
0x55: {  	[tilespmem:s21], [sflag:$0x2] =	stream.indirect.gather [hbm4b:s1+s8], $0x10, s20, s8, $0xb8;
	[tilespmem:$0x4400] =	vst v63  }
0x56: {  	_ =	swait.ge [sflag:s22], $0x800  }
0x57: {  	[sflag:s22] =	ssyncset.done $0x0  }
0x58: {  	[sflag:s22] =	ssyncadd.s32 $0xFFFFF800  }
0x59: {  	_ =	swait.ge [sflag:s22], $0x800  }
0x5a: {  	[sflag:s22] =	ssyncset.done $0x0  }
0x5b: {  	[sflag:s22] =	ssyncadd.s32 $0xFFFFF800  }
0x5c: {  	_ =	swait.ge [sflag:s22], $0x800  }
0x5d: {  	[sflag:s22] =	ssyncset.done $0x0  }
0x5e: {  	[sflag:s22] =	ssyncadd.s32 $0xFFFFF800  }
0x5f: {  	_ =	swait.ge [sflag:s22], $0x800  }
0x60: {  	[sflag:s22] =	ssyncset.done $0x0  }
0x61: {  	[sflag:s22] =	ssyncadd.s32 $0xFFFFF800  }
0x62: {  	[hbm4b:s23+s3] =	stream.linear.scatter [tilespmem:s9], [sflag:$0x3], $0x2000, $0x38;
	[tilespmem:$0x4400] =	vst v63  }
0x63: {  	_ =	swait.ge [sflag:s24], $0x800  }
0x64: {  	[sflag:s24] =	ssyncset.done $0x0  }
0x65: {  	[sflag:s24] =	ssyncadd.s32 $0xFFFFF800  }
0x66: {  	_ =	swait.ge [sflag:s24], $0x800  }
0x67: {  	[sflag:s24] =	ssyncset.done $0x0  }
0x68: {  	[sflag:s24] =	ssyncadd.s32 $0xFFFFF800  }
0x69: {  	_ =	swait.ge [sflag:s24], $0x800  }
0x6a: {  	[sflag:s24] =	ssyncset.done $0x0  }
0x6b: {  	[sflag:s24] =	ssyncadd.s32 $0xFFFFF800  }
0x6c: {  	_ =	swait.ge [sflag:s24], $0x800  }
0x6d: {  	[sflag:s24] =	ssyncset.done $0x0  }
0x6e: {  	[sflag:s24] =	ssyncadd.s32 $0xFFFFF800  }
0x6f: {  	[hbm4b:s25+s3] =	stream.linear.scatter [tilespmem:s10], [sflag:$0x3], $0x2000, $0x38;
	[tilespmem:$0x4400] =	vst v63  }
.Ltmp1:
0x70: {  	_ =	swait.ge [sflag:s26], $0x2000;
	(pc) =	sbr.rel @p0 .LBB2_1-.Ltmp1, $4  }
0x71: {  	[sflag:s26] =	ssyncset.done $0x0  }
0x72: {  	[sflag:s26] =	ssyncadd.s32 $0xFFFFE000  }
0x73: {  	_ =	swait.ge [sflag:s26], $0x2000  }
0x74: {  	[sflag:s26] =	ssyncset.done $0x0  }
.LBB2_2:
0x75: {  	[sflag:s26] =	ssyncadd.s32 $0xFFFFE000  }
0x76: {  	_ =	sfence.sel $0x180000  }
0x77: {  	[bflag:$0x0] =	sbarrier.arrive $0xFFFF  }
0x78: {  	p0 =	sne.s32 s0, $0x0;
	_ =	strace $0x90000047  }
0x79: {  	s0 =	sadd.s32 @!p0 $0x100000, s2;
	[bflag:$0x2] =	sbarrier.arrive $0xFFFF  }
0x7a: {  	[sflag:s0] =	ssyncadd.tile.s32 @!p0 $0x1;
	_ =	shalt  }
.Lfunc_end2:
_tile_overlayer_lowered:
.L_overlay_start_2:
0x7b: {  	(tag) =	ssettag $0x2  }
0x7c: {  	s0 =	rddreg [dreg:$0x0];
	s2 =	stileid.u32  }
0x7d: {  	s1 =	rddreg [dreg:$0x1];
	p0 =	sne.s32 s2, $0x0  }
0x7e: {  	s3 =	rddreg [dreg:$0x2];
	[bflag:$0x3] =	sbarrier.arrive $0xFFFF;
	s2 =	simm.s32 @!p0 $0x1C04  }
0x7f: {  	[timem:s3], [sflag:s2] =	dma.local @!p0 [hbm:s0], s1  }
0x80: {  	s0 =	simm.s32 @!p0 $0x4  }
0x81: {  	_ =	swait.ge @!p0 [sflag:s0], s1  }
0x82: {  	s1 =	ssub.s32 @!p0 $0x0, s1;
	[sflag:s0] =	ssyncset.done @!p0 $0x0  }
0x83: {  	[sflag:s0] =	ssyncadd.s32 @!p0 s1  }
0x84: {  	[bflag:$0x3] =	sbarrier.arrive $0xFFFF  }
0x85: {  	_ =	shalt  }

</sc_bundles>
